<compile_context>
chip_gen: v7x
topology: tpu7x:2x2x1
jax: 0.10.2.dev20260603
libtpu: 0.0.44.dev20260713+nightly
codegen_flags: <defaults>
</compile_context>

<pallas_src>
import functools

import numpy as np
import jax
import jax.numpy as jnp
from jax import lax
from jax.experimental import pallas as pl
from jax.experimental.pallas import tpu as pltpu
from jax.experimental.pallas import tpu_sc as plsc

N = 100
F = 41
HID = 128
NCLS = 2
P = N * (N - 1) // 2

NW = 32
PPW = 160
NPAD = NW * PPW
BLK = 16
NCHK = HID // 16
NBLK = PPW // BLK
WDL = HID + BLK

_i_np, _j_np = np.triu_indices(N, k=1)
_IDXS = np.stack([_i_np, _j_np], axis=1).astype(np.int32)



def _tc_body(adj, feat, wc0, wc1, wc2, wc3, w1, b1, w2t, b2,
             a_out, b_out, wdl_out):
    adj_v = adj[...]
    deg = jnp.sum(adj_v, axis=1, keepdims=True)
    na = adj_v / jnp.maximum(deg, 1.0)
    h = feat[...]
    for wc in (wc0, wc1, wc2, wc3):
        h = jnp.maximum(
            jnp.dot(jnp.dot(na, h, preferred_element_type=jnp.float32),
                    wc[...], preferred_element_type=jnp.float32), 0.0)
    w1v = w1[...]
    a_out[...] = jnp.dot(h, w1v[:F], preferred_element_type=jnp.float32) + b1[...]
    b_out[...] = jnp.dot(h, w1v[F:], preferred_element_type=jnp.float32)
    wd_row = w2t[0:1, :] - w2t[1:2, :]
    dltb = b2[0, 0] - b2[0, 1]
    wdl_out[...] = jnp.concatenate(
        [wd_row, jnp.full((1, BLK), dltb, jnp.float32)], axis=1)


def _tc_tables(adj, feat, wc0, wc1, wc2, wc3, w1, b1r, w2t, b2r):
    return pl.pallas_call(
        _tc_body,
        out_shape=[
            jax.ShapeDtypeStruct((N, HID), jnp.float32),
            jax.ShapeDtypeStruct((N, HID), jnp.float32),
            jax.ShapeDtypeStruct((1, WDL), jnp.float32),
        ],
    )(adj, feat, wc0, wc1, wc2, wc3, w1, b1r, w2t, b2r)



def _sc_body(a_hbm, b_hbm, w_hbm, out0, out1,
             a_sh, b_sh, a_v, b_v, p0v, p1v, wsm, tv):
    cid = lax.axis_index("c")
    sid = lax.axis_index("s")
    wid = sid * 2 + cid
    base = wid * PPW

    @pl.when(sid == 0)
    def _stage_a():
        pltpu.sync_copy(a_hbm, a_sh)

    @pl.when(sid == 1)
    def _stage_b():
        pltpu.sync_copy(b_hbm, b_sh)

    pltpu.sync_copy(w_hbm, wsm)

    p0s = jnp.int32(base)
    iot = lax.iota(jnp.int32, 16)
    i0 = jnp.int32(0)
    for kb in range(7):
        kvec = iot + (16 * kb + 1)
        offv = (kvec * (2 * N - 1 - kvec)) // 2
        i0 = i0 + plsc.all_reduce_population_count(offv <= p0s)[0]
    j0 = i0 + 1 + (p0s - (i0 * (2 * N - 1 - i0)) // 2)

    plsc.subcore_barrier()
    pltpu.sync_copy(a_sh, a_v)
    pltpu.sync_copy(b_sh, b_v)
    wregs = [wsm[0, pl.ds(16 * q, 16)] for q in range(NCHK)]
    dlv = wsm[0, pl.ds(HID, 16)]
    sc17 = lax.iota(jnp.int32, 16) * 17
    nm1 = jnp.int32(N - 1)

    def pairfn(p, carry):
        ci, cj = carry
        i_s = jnp.minimum(ci, nm1)
        j_s = jnp.minimum(cj, nm1)
        acc = jnp.zeros((16,), jnp.float32)
        for q in range(NCHK):
            va = a_v[i_s, pl.ds(16 * q, 16)]
            vb = b_v[j_s, pl.ds(16 * q, 16)]
            acc = acc + jnp.maximum(va + vb, 0.0) * wregs[q]
        plsc.store_scatter(tv, [sc17 + p], acc)
        wrap = cj >= nm1
        ci = jnp.where(wrap, ci + 1, ci)
        cj = jnp.where(wrap, ci + 1, cj + 1)
        return ci, cj

    def blk(b, carry):
        carry = lax.fori_loop(0, BLK, pairfn, carry)
        tot = dlv
        for l in range(16):
            tot = tot + tv[pl.ds(17 * l, 16)]
        t = jnp.exp(-tot)
        p0 = 1.0 / (1.0 + t)
        p0v[pl.ds(b * BLK, BLK)] = p0
        p1v[pl.ds(b * BLK, BLK)] = 1.0 - p0
        return carry

    lax.fori_loop(0, NBLK, blk, (i0, j0))
    pltpu.sync_copy(p0v, out0.at[pl.ds(base, PPW)])
    pltpu.sync_copy(p1v, out1.at[pl.ds(base, PPW)])


@functools.cache
def _sc_pairs_fn():
    mesh = plsc.VectorSubcoreMesh(core_axis_name="c", subcore_axis_name="s")
    return functools.partial(
        pl.kernel,
        mesh=mesh,
        compiler_params=pltpu.CompilerParams(needs_layout_passes=False),
        out_type=[
            jax.ShapeDtypeStruct((NPAD,), jnp.float32),
            jax.ShapeDtypeStruct((NPAD,), jnp.float32),
        ],
        scratch_types=[
            pltpu.VMEM_SHARED((N, HID), jnp.float32),
            pltpu.VMEM_SHARED((N, HID), jnp.float32),
            pltpu.VMEM((N, HID), jnp.float32),
            pltpu.VMEM((N, HID), jnp.float32),
            pltpu.VMEM((PPW,), jnp.float32),
            pltpu.VMEM((PPW,), jnp.float32),
            pltpu.VMEM((1, WDL), jnp.float32),
            pltpu.VMEM((16 * 17,), jnp.float32),
        ],
    )(_sc_body)



def kernel(adj_matrix, atom_features, num_atoms, Wc0, Wc1, Wc2, Wc3,
           W1, b1, W2, b2):
    zero = jnp.asarray(num_atoms - num_atoms, dtype=jnp.int32)
    adj = adj_matrix[0]
    feat = atom_features[0]
    a_t, b_t, wdl = _tc_tables(
        adj, feat, Wc0, Wc1, Wc2, Wc3,
        W1, b1.reshape(1, HID), W2.T, b2.reshape(1, NCLS))
    out0, out1 = _sc_pairs_fn()(a_t, b_t, wdl)
    probs = jnp.stack([out0[:P], out1[:P]], axis=1)
    idxs = jnp.asarray(_IDXS) + zero
    return (idxs, probs)

# --- scband reference (transcript-rebuilt; emitter-appended) ---
"""Pipeline reference for scband-odachi-engine-10136122819263 (READ-ONLY COPY).

The authoritative reference and input builder live on the scoring server;
editing this copy changes nothing except your own understanding.
"""

import jax, jax.numpy as jnp
import numpy as np

N = 100
F = 41
HID = 128
NCLS = 2


def setup_inputs(seed: int = 0) -> dict:
    key = jax.random.key(seed)
    ks = jax.random.split(key, 10)
    # symmetric binary adjacency with self loops (molecular graph)
    a = (jax.random.uniform(ks[0], (1, N, N)) < 0.06).astype(jnp.float32)
    adj = jnp.clip(a + jnp.transpose(a, (0, 2, 1)) + jnp.eye(N, dtype=jnp.float32)[None], 0.0, 1.0)
    atom_features = jax.random.normal(ks[1], (1, N, F), dtype=jnp.float32)
    # ConvEmbed(4, 0.05): 4 graph-conv layers (dropout 0.05 inactive at inference)
    Wc0 = jax.random.normal(ks[2], (F, F), dtype=jnp.float32) * 0.1
    Wc1 = jax.random.normal(ks[3], (F, F), dtype=jnp.float32) * 0.1
    Wc2 = jax.random.normal(ks[4], (F, F), dtype=jnp.float32) * 0.1
    Wc3 = jax.random.normal(ks[5], (F, F), dtype=jnp.float32) * 0.1
    # classifier MLP: 82 -> 128 -> 2 softmax
    W1 = jax.random.normal(ks[6], (2 * F, HID), dtype=jnp.float32) * 0.05
    b1 = jnp.zeros((HID,), dtype=jnp.float32)
    W2 = jax.random.normal(ks[7], (HID, NCLS), dtype=jnp.float32) * 0.05
    b2 = jnp.zeros((NCLS,), dtype=jnp.float32)
    return {
        'adj_matrix': adj,
        'atom_features': atom_features,
        'num_atoms': N,
        'Wc0': Wc0, 'Wc1': Wc1, 'Wc2': Wc2, 'Wc3': Wc3,
        'W1': W1, 'b1': b1, 'W2': W2, 'b2': b2,
    }


def reference(adj_matrix, atom_features, num_atoms, Wc0, Wc1, Wc2, Wc3, W1, b1, W2, b2):
    # --- ConvEmbed: 4 normalized graph-conv layers ---
    deg = jnp.sum(adj_matrix, axis=-1, keepdims=True)
    norm_adj = adj_matrix / jnp.maximum(deg, 1.0)
    h = atom_features
    for W in (Wc0, Wc1, Wc2, Wc3):
        h = jax.nn.relu(jnp.einsum('bij,bjf,fg->big', norm_adj, h, W))
    # embed: [1, num_atoms, 41]
    # --- pairwise gather over all atom pairs (itertools.combinations) ---
    n_static = adj_matrix.shape[1]
    i_np, j_np = np.triu_indices(n_static, k=1)
    zero = jnp.asarray(num_atoms - num_atoms, dtype=jnp.int32)
    i_idx = jnp.asarray(i_np, dtype=jnp.int32) + zero
    j_idx = jnp.asarray(j_np, dtype=jnp.int32) + zero
    vi = jnp.take(h, i_idx, axis=1)  # [1, P, 41]
    vj = jnp.take(h, j_idx, axis=1)  # [1, P, 41]
    vec = jnp.concatenate([vi, vj], axis=-1).reshape(-1, 2 * h.shape[-1])  # [P, 82]
    # --- classifier ---
    hid = jax.nn.relu(vec @ W1 + b1)
    logits = hid @ W2 + b2
    probs = jax.nn.softmax(logits, axis=-1)
    idxs = jnp.stack([i_idx, j_idx], axis=1)  # [P, 2]
    return (idxs, probs)

if __name__ == "__main__":
    import jax
    _d = setup_inputs()
    print(jax.jit(kernel)(*tuple(_d.values())))

</pallas_src>

<mosaic_0001>
#map = affine_map<(d0, d1) -> (0, 0)>
#map1 = affine_map<(d0, d1) -> (0)>
module attributes {stable_mosaic.version = 14 : i64} {
  func.func @_sc_body(%arg0: i32, %arg1: i32, %arg2: memref<100x128xf32, #tpu.memory_space<hbm>>, %arg3: memref<100x128xf32, #tpu.memory_space<hbm>>, %arg4: memref<1x144xf32, #tpu.memory_space<hbm>>, %arg5: memref<5120xf32, #tpu.memory_space<hbm>>, %arg6: memref<5120xf32, #tpu.memory_space<hbm>>, %arg7: memref<100x128xf32, #tpu.memory_space<vmem_shared>>, %arg8: memref<100x128xf32, #tpu.memory_space<vmem_shared>>, %arg9: memref<100x128xf32, #tpu.memory_space<vmem>>, %arg10: memref<100x128xf32, #tpu.memory_space<vmem>>, %arg11: memref<160xf32, #tpu.memory_space<vmem>>, %arg12: memref<160xf32, #tpu.memory_space<vmem>>, %arg13: memref<1x144xf32, #tpu.memory_space<vmem>>, %arg14: memref<272xf32, #tpu.memory_space<vmem>>) attributes {dimension_semantics = [#tpu.dimension_semantics<core_parallel>, #tpu.dimension_semantics<subcore_parallel>], iteration_bounds = array<i64: 2, 16>, scalar_prefetch = 0 : i64, scratch_operands = 8 : i64, tpu.core_type = #tpu.core_type<sc_vector_subcore>, window_params = [{transform_indices = #map}, {transform_indices = #map}, {transform_indices = #map}, {transform_indices = #map1}, {transform_indices = #map1}]} {
    %mul3A = arith.constant 2 : i32
    %mul3A_0 = arith.muli %arg1, %mul3A : i32
    %add3A = arith.addi %mul3A_0, %arg0 : i32
    %mul3A_1 = arith.constant 160 : i32
    %mul3A_2 = arith.muli %add3A, %mul3A_1 : i32
    %eq3A = arith.constant 0 : i32
    %eq3A_3 = arith.cmpi eq, %arg1, %eq3A : i32
    %convert_element_type3A = arith.extui %eq3A_3 : i1 to i32
    %cond3A = arith.constant 0 : i32
    %cond3A_4 = arith.cmpi ne, %convert_element_type3A, %cond3A : i32
    scf.if %cond3A_4 {
      "tpu.region"() ({
        %run_scoped3A = tpu.sem_alloc : memref<!tpu.dma_semaphore, #tpu.memory_space<semaphore_mem>>
        tpu.enqueue_dma source(%arg2 : memref<100x128xf32, #tpu.memory_space<hbm>>) target(%arg7 : memref<100x128xf32, #tpu.memory_space<vmem_shared>>) target_semaphore(%run_scoped3A : memref<!tpu.dma_semaphore, #tpu.memory_space<semaphore_mem>>)
        tpu.wait_dma2 semaphore(%run_scoped3A : memref<!tpu.dma_semaphore, #tpu.memory_space<semaphore_mem>>) src(%arg2 : memref<100x128xf32, #tpu.memory_space<hbm>>) dst(%arg7 : memref<100x128xf32, #tpu.memory_space<vmem_shared>>)
        tpu.yield
      }) : () -> ()
    } else {
    }
    %eq3A_5 = arith.constant 1 : i32
    %eq3A_6 = arith.cmpi eq, %arg1, %eq3A_5 : i32
    %convert_element_type3A_7 = arith.extui %eq3A_6 : i1 to i32
    %cond3A_8 = arith.constant 0 : i32
    %cond3A_9 = arith.cmpi ne, %convert_element_type3A_7, %cond3A_8 : i32
    scf.if %cond3A_9 {
      "tpu.region"() ({
        %run_scoped3A = tpu.sem_alloc : memref<!tpu.dma_semaphore, #tpu.memory_space<semaphore_mem>>
        tpu.enqueue_dma source(%arg3 : memref<100x128xf32, #tpu.memory_space<hbm>>) target(%arg8 : memref<100x128xf32, #tpu.memory_space<vmem_shared>>) target_semaphore(%run_scoped3A : memref<!tpu.dma_semaphore, #tpu.memory_space<semaphore_mem>>)
        tpu.wait_dma2 semaphore(%run_scoped3A : memref<!tpu.dma_semaphore, #tpu.memory_space<semaphore_mem>>) src(%arg3 : memref<100x128xf32, #tpu.memory_space<hbm>>) dst(%arg8 : memref<100x128xf32, #tpu.memory_space<vmem_shared>>)
        tpu.yield
      }) : () -> ()
    } else {
    }
    "tpu.region"() ({
      %run_scoped3A = tpu.sem_alloc : memref<!tpu.dma_semaphore, #tpu.memory_space<semaphore_mem>>
      tpu.enqueue_dma source(%arg4 : memref<1x144xf32, #tpu.memory_space<hbm>>) target(%arg13 : memref<1x144xf32, #tpu.memory_space<vmem>>) target_semaphore(%run_scoped3A : memref<!tpu.dma_semaphore, #tpu.memory_space<semaphore_mem>>)
      tpu.wait_dma2 semaphore(%run_scoped3A : memref<!tpu.dma_semaphore, #tpu.memory_space<semaphore_mem>>) src(%arg4 : memref<1x144xf32, #tpu.memory_space<hbm>>) dst(%arg13 : memref<1x144xf32, #tpu.memory_space<vmem>>)
      tpu.yield
    }) : () -> ()
    %iota3A = tpu.iota {dimensions = array<i32: 0>} : vector<16xi32>
    %add3A_10 = arith.constant 1 : i32
    %add3A_11 = vector.broadcast %add3A_10 : i32 to vector<16xi32>
    %add3A_12 = arith.addi %iota3A, %add3A_11 : vector<16xi32>
    %sub3A = arith.constant 199 : i32
    %sub3A_13 = vector.broadcast %sub3A : i32 to vector<16xi32>
    %sub3A_14 = arith.subi %sub3A_13, %add3A_12 : vector<16xi32>
    %mul3A_15 = arith.muli %add3A_12, %sub3A_14 : vector<16xi32>
    %jit3A = arith.constant 2 : i32
    %div3A = vector.broadcast %jit3A : i32 to vector<16xi32>
    %div3A_16 = arith.divsi %mul3A_15, %div3A : vector<16xi32>
    %sign3A = arith.constant 0 : i32
    %sign3A_17 = vector.broadcast %sign3A : i32 to vector<16xi32>
    %sign3A_18 = arith.cmpi sgt, %mul3A_15, %sign3A_17 : vector<16xi32>
    %sign3A_19 = arith.extui %sign3A_18 : vector<16xi1> to vector<16xi32>
    %sign3A_20 = arith.constant 0 : i32
    %sign3A_21 = vector.broadcast %sign3A_20 : i32 to vector<16xi32>
    %sign3A_22 = arith.cmpi slt, %mul3A_15, %sign3A_21 : vector<16xi32>
    %sign3A_23 = arith.extui %sign3A_22 : vector<16xi1> to vector<16xi32>
    %sign3A_24 = arith.subi %sign3A_19, %sign3A_23 : vector<16xi32>
    %sign3A_25 = arith.constant 0 : i32
    %sign3A_26 = arith.cmpi sgt, %jit3A, %sign3A_25 : i32
    %sign3A_27 = arith.extui %sign3A_26 : i1 to i32
    %sign3A_28 = arith.constant 0 : i32
    %sign3A_29 = arith.cmpi slt, %jit3A, %sign3A_28 : i32
    %sign3A_30 = arith.extui %sign3A_29 : i1 to i32
    %sign3A_31 = arith.subi %sign3A_27, %sign3A_30 : i32
    %ne3A = vector.broadcast %sign3A_31 : i32 to vector<16xi32>
    %ne3A_32 = arith.cmpi ne, %sign3A_24, %ne3A : vector<16xi32>
    %rem3A = vector.broadcast %jit3A : i32 to vector<16xi32>
    %rem3A_33 = arith.remsi %mul3A_15, %rem3A : vector<16xi32>
    %ne3A_34 = arith.constant 0 : i32
    %ne3A_35 = vector.broadcast %ne3A_34 : i32 to vector<16xi32>
    %ne3A_36 = arith.cmpi ne, %rem3A_33, %ne3A_35 : vector<16xi32>
    %and3A = arith.andi %ne3A_32, %ne3A_36 : vector<16xi1>
    %sub3A_37 = arith.constant 1 : i32
    %sub3A_38 = vector.broadcast %sub3A_37 : i32 to vector<16xi32>
    %sub3A_39 = arith.subi %div3A_16, %sub3A_38 : vector<16xi32>
    %select_n3A = arith.select %and3A, %sub3A_39, %div3A_16 : vector<16xi1>, vector<16xi32>
    %le3A = vector.broadcast %mul3A_2 : i32 to vector<16xi32>
    %le3A_40 = arith.cmpi sle, %select_n3A, %le3A : vector<16xi32>
    %all_reduce_population_count3A = tpu.all_reduce %le3A_40 {dim = 0 : i64, kind = #tpu.reduction_kind<sum>} : vector<16xi1> -> vector<16xi32>
    %slice3A = vector.extract_strided_slice %all_reduce_population_count3A {offsets = [0], sizes = [1], strides = [1]} : vector<16xi32> to vector<1xi32>
    %squeeze3A = vector.extract %slice3A[0] : i32 from vector<1xi32>
    %add3A_41 = arith.constant 0 : i32
    %add3A_42 = arith.addi %add3A_41, %squeeze3A : i32
    %add3A_43 = arith.constant 17 : i32
    %add3A_44 = vector.broadcast %add3A_43 : i32 to vector<16xi32>
    %add3A_45 = arith.addi %iota3A, %add3A_44 : vector<16xi32>
    %sub3A_46 = arith.constant 199 : i32
    %sub3A_47 = vector.broadcast %sub3A_46 : i32 to vector<16xi32>
    %sub3A_48 = arith.subi %sub3A_47, %add3A_45 : vector<16xi32>
    %mul3A_49 = arith.muli %add3A_45, %sub3A_48 : vector<16xi32>
    %jit3A_50 = arith.constant 2 : i32
    %div3A_51 = vector.broadcast %jit3A_50 : i32 to vector<16xi32>
    %div3A_52 = arith.divsi %mul3A_49, %div3A_51 : vector<16xi32>
    %sign3A_53 = arith.constant 0 : i32
    %sign3A_54 = vector.broadcast %sign3A_53 : i32 to vector<16xi32>
    %sign3A_55 = arith.cmpi sgt, %mul3A_49, %sign3A_54 : vector<16xi32>
    %sign3A_56 = arith.extui %sign3A_55 : vector<16xi1> to vector<16xi32>
    %sign3A_57 = arith.constant 0 : i32
    %sign3A_58 = vector.broadcast %sign3A_57 : i32 to vector<16xi32>
    %sign3A_59 = arith.cmpi slt, %mul3A_49, %sign3A_58 : vector<16xi32>
    %sign3A_60 = arith.extui %sign3A_59 : vector<16xi1> to vector<16xi32>
    %sign3A_61 = arith.subi %sign3A_56, %sign3A_60 : vector<16xi32>
    %sign3A_62 = arith.constant 0 : i32
    %sign3A_63 = arith.cmpi sgt, %jit3A_50, %sign3A_62 : i32
    %sign3A_64 = arith.extui %sign3A_63 : i1 to i32
    %sign3A_65 = arith.constant 0 : i32
    %sign3A_66 = arith.cmpi slt, %jit3A_50, %sign3A_65 : i32
    %sign3A_67 = arith.extui %sign3A_66 : i1 to i32
    %sign3A_68 = arith.subi %sign3A_64, %sign3A_67 : i32
    %ne3A_69 = vector.broadcast %sign3A_68 : i32 to vector<16xi32>
    %ne3A_70 = arith.cmpi ne, %sign3A_61, %ne3A_69 : vector<16xi32>
    %rem3A_71 = vector.broadcast %jit3A_50 : i32 to vector<16xi32>
    %rem3A_72 = arith.remsi %mul3A_49, %rem3A_71 : vector<16xi32>
    %ne3A_73 = arith.constant 0 : i32
    %ne3A_74 = vector.broadcast %ne3A_73 : i32 to vector<16xi32>
    %ne3A_75 = arith.cmpi ne, %rem3A_72, %ne3A_74 : vector<16xi32>
    %and3A_76 = arith.andi %ne3A_70, %ne3A_75 : vector<16xi1>
    %sub3A_77 = arith.constant 1 : i32
    %sub3A_78 = vector.broadcast %sub3A_77 : i32 to vector<16xi32>
    %sub3A_79 = arith.subi %div3A_52, %sub3A_78 : vector<16xi32>
    %select_n3A_80 = arith.select %and3A_76, %sub3A_79, %div3A_52 : vector<16xi1>, vector<16xi32>
    %le3A_81 = vector.broadcast %mul3A_2 : i32 to vector<16xi32>
    %le3A_82 = arith.cmpi sle, %select_n3A_80, %le3A_81 : vector<16xi32>
    %all_reduce_population_count3A_83 = tpu.all_reduce %le3A_82 {dim = 0 : i64, kind = #tpu.reduction_kind<sum>} : vector<16xi1> -> vector<16xi32>
    %slice3A_84 = vector.extract_strided_slice %all_reduce_population_count3A_83 {offsets = [0], sizes = [1], strides = [1]} : vector<16xi32> to vector<1xi32>
    %squeeze3A_85 = vector.extract %slice3A_84[0] : i32 from vector<1xi32>
    %add3A_86 = arith.addi %add3A_42, %squeeze3A_85 : i32
    %add3A_87 = arith.constant 33 : i32
    %add3A_88 = vector.broadcast %add3A_87 : i32 to vector<16xi32>
    %add3A_89 = arith.addi %iota3A, %add3A_88 : vector<16xi32>
    %sub3A_90 = arith.constant 199 : i32
    %sub3A_91 = vector.broadcast %sub3A_90 : i32 to vector<16xi32>
    %sub3A_92 = arith.subi %sub3A_91, %add3A_89 : vector<16xi32>
    %mul3A_93 = arith.muli %add3A_89, %sub3A_92 : vector<16xi32>
    %jit3A_94 = arith.constant 2 : i32
    %div3A_95 = vector.broadcast %jit3A_94 : i32 to vector<16xi32>
    %div3A_96 = arith.divsi %mul3A_93, %div3A_95 : vector<16xi32>
    %sign3A_97 = arith.constant 0 : i32
    %sign3A_98 = vector.broadcast %sign3A_97 : i32 to vector<16xi32>
    %sign3A_99 = arith.cmpi sgt, %mul3A_93, %sign3A_98 : vector<16xi32>
    %sign3A_100 = arith.extui %sign3A_99 : vector<16xi1> to vector<16xi32>
    %sign3A_101 = arith.constant 0 : i32
    %sign3A_102 = vector.broadcast %sign3A_101 : i32 to vector<16xi32>
    %sign3A_103 = arith.cmpi slt, %mul3A_93, %sign3A_102 : vector<16xi32>
    %sign3A_104 = arith.extui %sign3A_103 : vector<16xi1> to vector<16xi32>
    %sign3A_105 = arith.subi %sign3A_100, %sign3A_104 : vector<16xi32>
    %sign3A_106 = arith.constant 0 : i32
    %sign3A_107 = arith.cmpi sgt, %jit3A_94, %sign3A_106 : i32
    %sign3A_108 = arith.extui %sign3A_107 : i1 to i32
    %sign3A_109 = arith.constant 0 : i32
    %sign3A_110 = arith.cmpi slt, %jit3A_94, %sign3A_109 : i32
    %sign3A_111 = arith.extui %sign3A_110 : i1 to i32
    %sign3A_112 = arith.subi %sign3A_108, %sign3A_111 : i32
    %ne3A_113 = vector.broadcast %sign3A_112 : i32 to vector<16xi32>
    %ne3A_114 = arith.cmpi ne, %sign3A_105, %ne3A_113 : vector<16xi32>
    %rem3A_115 = vector.broadcast %jit3A_94 : i32 to vector<16xi32>
    %rem3A_116 = arith.remsi %mul3A_93, %rem3A_115 : vector<16xi32>
    %ne3A_117 = arith.constant 0 : i32
    %ne3A_118 = vector.broadcast %ne3A_117 : i32 to vector<16xi32>
    %ne3A_119 = arith.cmpi ne, %rem3A_116, %ne3A_118 : vector<16xi32>
    %and3A_120 = arith.andi %ne3A_114, %ne3A_119 : vector<16xi1>
    %sub3A_121 = arith.constant 1 : i32
    %sub3A_122 = vector.broadcast %sub3A_121 : i32 to vector<16xi32>
    %sub3A_123 = arith.subi %div3A_96, %sub3A_122 : vector<16xi32>
    %select_n3A_124 = arith.select %and3A_120, %sub3A_123, %div3A_96 : vector<16xi1>, vector<16xi32>
    %le3A_125 = vector.broadcast %mul3A_2 : i32 to vector<16xi32>
    %le3A_126 = arith.cmpi sle, %select_n3A_124, %le3A_125 : vector<16xi32>
    %all_reduce_population_count3A_127 = tpu.all_reduce %le3A_126 {dim = 0 : i64, kind = #tpu.reduction_kind<sum>} : vector<16xi1> -> vector<16xi32>
    %slice3A_128 = vector.extract_strided_slice %all_reduce_population_count3A_127 {offsets = [0], sizes = [1], strides = [1]} : vector<16xi32> to vector<1xi32>
    %squeeze3A_129 = vector.extract %slice3A_128[0] : i32 from vector<1xi32>
    %add3A_130 = arith.addi %add3A_86, %squeeze3A_129 : i32
    %add3A_131 = arith.constant 49 : i32
    %add3A_132 = vector.broadcast %add3A_131 : i32 to vector<16xi32>
    %add3A_133 = arith.addi %iota3A, %add3A_132 : vector<16xi32>
    %sub3A_134 = arith.constant 199 : i32
    %sub3A_135 = vector.broadcast %sub3A_134 : i32 to vector<16xi32>
    %sub3A_136 = arith.subi %sub3A_135, %add3A_133 : vector<16xi32>
    %mul3A_137 = arith.muli %add3A_133, %sub3A_136 : vector<16xi32>
    %jit3A_138 = arith.constant 2 : i32
    %div3A_139 = vector.broadcast %jit3A_138 : i32 to vector<16xi32>
    %div3A_140 = arith.divsi %mul3A_137, %div3A_139 : vector<16xi32>
    %sign3A_141 = arith.constant 0 : i32
    %sign3A_142 = vector.broadcast %sign3A_141 : i32 to vector<16xi32>
    %sign3A_143 = arith.cmpi sgt, %mul3A_137, %sign3A_142 : vector<16xi32>
    %sign3A_144 = arith.extui %sign3A_143 : vector<16xi1> to vector<16xi32>
    %sign3A_145 = arith.constant 0 : i32
    %sign3A_146 = vector.broadcast %sign3A_145 : i32 to vector<16xi32>
    %sign3A_147 = arith.cmpi slt, %mul3A_137, %sign3A_146 : vector<16xi32>
    %sign3A_148 = arith.extui %sign3A_147 : vector<16xi1> to vector<16xi32>
    %sign3A_149 = arith.subi %sign3A_144, %sign3A_148 : vector<16xi32>
    %sign3A_150 = arith.constant 0 : i32
    %sign3A_151 = arith.cmpi sgt, %jit3A_138, %sign3A_150 : i32
    %sign3A_152 = arith.extui %sign3A_151 : i1 to i32
    %sign3A_153 = arith.constant 0 : i32
    %sign3A_154 = arith.cmpi slt, %jit3A_138, %sign3A_153 : i32
    %sign3A_155 = arith.extui %sign3A_154 : i1 to i32
    %sign3A_156 = arith.subi %sign3A_152, %sign3A_155 : i32
    %ne3A_157 = vector.broadcast %sign3A_156 : i32 to vector<16xi32>
    %ne3A_158 = arith.cmpi ne, %sign3A_149, %ne3A_157 : vector<16xi32>
    %rem3A_159 = vector.broadcast %jit3A_138 : i32 to vector<16xi32>
    %rem3A_160 = arith.remsi %mul3A_137, %rem3A_159 : vector<16xi32>
    %ne3A_161 = arith.constant 0 : i32
    %ne3A_162 = vector.broadcast %ne3A_161 : i32 to vector<16xi32>
    %ne3A_163 = arith.cmpi ne, %rem3A_160, %ne3A_162 : vector<16xi32>
    %and3A_164 = arith.andi %ne3A_158, %ne3A_163 : vector<16xi1>
    %sub3A_165 = arith.constant 1 : i32
    %sub3A_166 = vector.broadcast %sub3A_165 : i32 to vector<16xi32>
    %sub3A_167 = arith.subi %div3A_140, %sub3A_166 : vector<16xi32>
    %select_n3A_168 = arith.select %and3A_164, %sub3A_167, %div3A_140 : vector<16xi1>, vector<16xi32>
    %le3A_169 = vector.broadcast %mul3A_2 : i32 to vector<16xi32>
    %le3A_170 = arith.cmpi sle, %select_n3A_168, %le3A_169 : vector<16xi32>
    %all_reduce_population_count3A_171 = tpu.all_reduce %le3A_170 {dim = 0 : i64, kind = #tpu.reduction_kind<sum>} : vector<16xi1> -> vector<16xi32>
    %slice3A_172 = vector.extract_strided_slice %all_reduce_population_count3A_171 {offsets = [0], sizes = [1], strides = [1]} : vector<16xi32> to vector<1xi32>
    %squeeze3A_173 = vector.extract %slice3A_172[0] : i32 from vector<1xi32>
    %add3A_174 = arith.addi %add3A_130, %squeeze3A_173 : i32
    %add3A_175 = arith.constant 65 : i32
    %add3A_176 = vector.broadcast %add3A_175 : i32 to vector<16xi32>
    %add3A_177 = arith.addi %iota3A, %add3A_176 : vector<16xi32>
    %sub3A_178 = arith.constant 199 : i32
    %sub3A_179 = vector.broadcast %sub3A_178 : i32 to vector<16xi32>
    %sub3A_180 = arith.subi %sub3A_179, %add3A_177 : vector<16xi32>
    %mul3A_181 = arith.muli %add3A_177, %sub3A_180 : vector<16xi32>
    %jit3A_182 = arith.constant 2 : i32
    %div3A_183 = vector.broadcast %jit3A_182 : i32 to vector<16xi32>
    %div3A_184 = arith.divsi %mul3A_181, %div3A_183 : vector<16xi32>
    %sign3A_185 = arith.constant 0 : i32
    %sign3A_186 = vector.broadcast %sign3A_185 : i32 to vector<16xi32>
    %sign3A_187 = arith.cmpi sgt, %mul3A_181, %sign3A_186 : vector<16xi32>
    %sign3A_188 = arith.extui %sign3A_187 : vector<16xi1> to vector<16xi32>
    %sign3A_189 = arith.constant 0 : i32
    %sign3A_190 = vector.broadcast %sign3A_189 : i32 to vector<16xi32>
    %sign3A_191 = arith.cmpi slt, %mul3A_181, %sign3A_190 : vector<16xi32>
    %sign3A_192 = arith.extui %sign3A_191 : vector<16xi1> to vector<16xi32>
    %sign3A_193 = arith.subi %sign3A_188, %sign3A_192 : vector<16xi32>
    %sign3A_194 = arith.constant 0 : i32
    %sign3A_195 = arith.cmpi sgt, %jit3A_182, %sign3A_194 : i32
    %sign3A_196 = arith.extui %sign3A_195 : i1 to i32
    %sign3A_197 = arith.constant 0 : i32
    %sign3A_198 = arith.cmpi slt, %jit3A_182, %sign3A_197 : i32
    %sign3A_199 = arith.extui %sign3A_198 : i1 to i32
    %sign3A_200 = arith.subi %sign3A_196, %sign3A_199 : i32
    %ne3A_201 = vector.broadcast %sign3A_200 : i32 to vector<16xi32>
    %ne3A_202 = arith.cmpi ne, %sign3A_193, %ne3A_201 : vector<16xi32>
    %rem3A_203 = vector.broadcast %jit3A_182 : i32 to vector<16xi32>
    %rem3A_204 = arith.remsi %mul3A_181, %rem3A_203 : vector<16xi32>
    %ne3A_205 = arith.constant 0 : i32
    %ne3A_206 = vector.broadcast %ne3A_205 : i32 to vector<16xi32>
    %ne3A_207 = arith.cmpi ne, %rem3A_204, %ne3A_206 : vector<16xi32>
    %and3A_208 = arith.andi %ne3A_202, %ne3A_207 : vector<16xi1>
    %sub3A_209 = arith.constant 1 : i32
    %sub3A_210 = vector.broadcast %sub3A_209 : i32 to vector<16xi32>
    %sub3A_211 = arith.subi %div3A_184, %sub3A_210 : vector<16xi32>
    %select_n3A_212 = arith.select %and3A_208, %sub3A_211, %div3A_184 : vector<16xi1>, vector<16xi32>
    %le3A_213 = vector.broadcast %mul3A_2 : i32 to vector<16xi32>
    %le3A_214 = arith.cmpi sle, %select_n3A_212, %le3A_213 : vector<16xi32>
    %all_reduce_population_count3A_215 = tpu.all_reduce %le3A_214 {dim = 0 : i64, kind = #tpu.reduction_kind<sum>} : vector<16xi1> -> vector<16xi32>
    %slice3A_216 = vector.extract_strided_slice %all_reduce_population_count3A_215 {offsets = [0], sizes = [1], strides = [1]} : vector<16xi32> to vector<1xi32>
    %squeeze3A_217 = vector.extract %slice3A_216[0] : i32 from vector<1xi32>
    %add3A_218 = arith.addi %add3A_174, %squeeze3A_217 : i32
    %add3A_219 = arith.constant 81 : i32
    %add3A_220 = vector.broadcast %add3A_219 : i32 to vector<16xi32>
    %add3A_221 = arith.addi %iota3A, %add3A_220 : vector<16xi32>
    %sub3A_222 = arith.constant 199 : i32
    %sub3A_223 = vector.broadcast %sub3A_222 : i32 to vector<16xi32>
    %sub3A_224 = arith.subi %sub3A_223, %add3A_221 : vector<16xi32>
    %mul3A_225 = arith.muli %add3A_221, %sub3A_224 : vector<16xi32>
    %jit3A_226 = arith.constant 2 : i32
    %div3A_227 = vector.broadcast %jit3A_226 : i32 to vector<16xi32>
    %div3A_228 = arith.divsi %mul3A_225, %div3A_227 : vector<16xi32>
    %sign3A_229 = arith.constant 0 : i32
    %sign3A_230 = vector.broadcast %sign3A_229 : i32 to vector<16xi32>
    %sign3A_231 = arith.cmpi sgt, %mul3A_225, %sign3A_230 : vector<16xi32>
    %sign3A_232 = arith.extui %sign3A_231 : vector<16xi1> to vector<16xi32>
    %sign3A_233 = arith.constant 0 : i32
    %sign3A_234 = vector.broadcast %sign3A_233 : i32 to vector<16xi32>
    %sign3A_235 = arith.cmpi slt, %mul3A_225, %sign3A_234 : vector<16xi32>
    %sign3A_236 = arith.extui %sign3A_235 : vector<16xi1> to vector<16xi32>
    %sign3A_237 = arith.subi %sign3A_232, %sign3A_236 : vector<16xi32>
    %sign3A_238 = arith.constant 0 : i32
    %sign3A_239 = arith.cmpi sgt, %jit3A_226, %sign3A_238 : i32
    %sign3A_240 = arith.extui %sign3A_239 : i1 to i32
    %sign3A_241 = arith.constant 0 : i32
    %sign3A_242 = arith.cmpi slt, %jit3A_226, %sign3A_241 : i32
    %sign3A_243 = arith.extui %sign3A_242 : i1 to i32
    %sign3A_244 = arith.subi %sign3A_240, %sign3A_243 : i32
    %ne3A_245 = vector.broadcast %sign3A_244 : i32 to vector<16xi32>
    %ne3A_246 = arith.cmpi ne, %sign3A_237, %ne3A_245 : vector<16xi32>
    %rem3A_247 = vector.broadcast %jit3A_226 : i32 to vector<16xi32>
    %rem3A_248 = arith.remsi %mul3A_225, %rem3A_247 : vector<16xi32>
    %ne3A_249 = arith.constant 0 : i32
    %ne3A_250 = vector.broadcast %ne3A_249 : i32 to vector<16xi32>
    %ne3A_251 = arith.cmpi ne, %rem3A_248, %ne3A_250 : vector<16xi32>
    %and3A_252 = arith.andi %ne3A_246, %ne3A_251 : vector<16xi1>
    %sub3A_253 = arith.constant 1 : i32
    %sub3A_254 = vector.broadcast %sub3A_253 : i32 to vector<16xi32>
    %sub3A_255 = arith.subi %div3A_228, %sub3A_254 : vector<16xi32>
    %select_n3A_256 = arith.select %and3A_252, %sub3A_255, %div3A_228 : vector<16xi1>, vector<16xi32>
    %le3A_257 = vector.broadcast %mul3A_2 : i32 to vector<16xi32>
    %le3A_258 = arith.cmpi sle, %select_n3A_256, %le3A_257 : vector<16xi32>
    %all_reduce_population_count3A_259 = tpu.all_reduce %le3A_258 {dim = 0 : i64, kind = #tpu.reduction_kind<sum>} : vector<16xi1> -> vector<16xi32>
    %slice3A_260 = vector.extract_strided_slice %all_reduce_population_count3A_259 {offsets = [0], sizes = [1], strides = [1]} : vector<16xi32> to vector<1xi32>
    %squeeze3A_261 = vector.extract %slice3A_260[0] : i32 from vector<1xi32>
    %add3A_262 = arith.addi %add3A_218, %squeeze3A_261 : i32
    %add3A_263 = arith.constant 97 : i32
    %add3A_264 = vector.broadcast %add3A_263 : i32 to vector<16xi32>
    %add3A_265 = arith.addi %iota3A, %add3A_264 : vector<16xi32>
    %sub3A_266 = arith.constant 199 : i32
    %sub3A_267 = vector.broadcast %sub3A_266 : i32 to vector<16xi32>
    %sub3A_268 = arith.subi %sub3A_267, %add3A_265 : vector<16xi32>
    %mul3A_269 = arith.muli %add3A_265, %sub3A_268 : vector<16xi32>
    %jit3A_270 = arith.constant 2 : i32
    %div3A_271 = vector.broadcast %jit3A_270 : i32 to vector<16xi32>
    %div3A_272 = arith.divsi %mul3A_269, %div3A_271 : vector<16xi32>
    %sign3A_273 = arith.constant 0 : i32
    %sign3A_274 = vector.broadcast %sign3A_273 : i32 to vector<16xi32>
    %sign3A_275 = arith.cmpi sgt, %mul3A_269, %sign3A_274 : vector<16xi32>
    %sign3A_276 = arith.extui %sign3A_275 : vector<16xi1> to vector<16xi32>
    %sign3A_277 = arith.constant 0 : i32
    %sign3A_278 = vector.broadcast %sign3A_277 : i32 to vector<16xi32>
    %sign3A_279 = arith.cmpi slt, %mul3A_269, %sign3A_278 : vector<16xi32>
    %sign3A_280 = arith.extui %sign3A_279 : vector<16xi1> to vector<16xi32>
    %sign3A_281 = arith.subi %sign3A_276, %sign3A_280 : vector<16xi32>
    %sign3A_282 = arith.constant 0 : i32
    %sign3A_283 = arith.cmpi sgt, %jit3A_270, %sign3A_282 : i32
    %sign3A_284 = arith.extui %sign3A_283 : i1 to i32
    %sign3A_285 = arith.constant 0 : i32
    %sign3A_286 = arith.cmpi slt, %jit3A_270, %sign3A_285 : i32
    %sign3A_287 = arith.extui %sign3A_286 : i1 to i32
    %sign3A_288 = arith.subi %sign3A_284, %sign3A_287 : i32
    %ne3A_289 = vector.broadcast %sign3A_288 : i32 to vector<16xi32>
    %ne3A_290 = arith.cmpi ne, %sign3A_281, %ne3A_289 : vector<16xi32>
    %rem3A_291 = vector.broadcast %jit3A_270 : i32 to vector<16xi32>
    %rem3A_292 = arith.remsi %mul3A_269, %rem3A_291 : vector<16xi32>
    %ne3A_293 = arith.constant 0 : i32
    %ne3A_294 = vector.broadcast %ne3A_293 : i32 to vector<16xi32>
    %ne3A_295 = arith.cmpi ne, %rem3A_292, %ne3A_294 : vector<16xi32>
    %and3A_296 = arith.andi %ne3A_290, %ne3A_295 : vector<16xi1>
    %sub3A_297 = arith.constant 1 : i32
    %sub3A_298 = vector.broadcast %sub3A_297 : i32 to vector<16xi32>
    %sub3A_299 = arith.subi %div3A_272, %sub3A_298 : vector<16xi32>
    %select_n3A_300 = arith.select %and3A_296, %sub3A_299, %div3A_272 : vector<16xi1>, vector<16xi32>
    %le3A_301 = vector.broadcast %mul3A_2 : i32 to vector<16xi32>
    %le3A_302 = arith.cmpi sle, %select_n3A_300, %le3A_301 : vector<16xi32>
    %all_reduce_population_count3A_303 = tpu.all_reduce %le3A_302 {dim = 0 : i64, kind = #tpu.reduction_kind<sum>} : vector<16xi1> -> vector<16xi32>
    %slice3A_304 = vector.extract_strided_slice %all_reduce_population_count3A_303 {offsets = [0], sizes = [1], strides = [1]} : vector<16xi32> to vector<1xi32>
    %squeeze3A_305 = vector.extract %slice3A_304[0] : i32 from vector<1xi32>
    %add3A_306 = arith.addi %add3A_262, %squeeze3A_305 : i32
    %add3A_307 = arith.constant 1 : i32
    %add3A_308 = arith.addi %add3A_306, %add3A_307 : i32
    %sub3A_309 = arith.constant 199 : i32
    %sub3A_310 = arith.subi %sub3A_309, %add3A_306 : i32
    %mul3A_311 = arith.muli %add3A_306, %sub3A_310 : i32
    %jit3A_312 = arith.constant 2 : i32
    %div3A_313 = arith.divsi %mul3A_311, %jit3A_312 : i32
    %sign3A_314 = arith.constant 0 : i32
    %sign3A_315 = arith.cmpi sgt, %mul3A_311, %sign3A_314 : i32
    %sign3A_316 = arith.extui %sign3A_315 : i1 to i32
    %sign3A_317 = arith.constant 0 : i32
    %sign3A_318 = arith.cmpi slt, %mul3A_311, %sign3A_317 : i32
    %sign3A_319 = arith.extui %sign3A_318 : i1 to i32
    %sign3A_320 = arith.subi %sign3A_316, %sign3A_319 : i32
    %sign3A_321 = arith.constant 0 : i32
    %sign3A_322 = arith.cmpi sgt, %jit3A_312, %sign3A_321 : i32
    %sign3A_323 = arith.extui %sign3A_322 : i1 to i32
    %sign3A_324 = arith.constant 0 : i32
    %sign3A_325 = arith.cmpi slt, %jit3A_312, %sign3A_324 : i32
    %sign3A_326 = arith.extui %sign3A_325 : i1 to i32
    %sign3A_327 = arith.subi %sign3A_323, %sign3A_326 : i32
    %ne3A_328 = arith.cmpi ne, %sign3A_320, %sign3A_327 : i32
    %rem3A_329 = arith.remsi %mul3A_311, %jit3A_312 : i32
    %ne3A_330 = arith.constant 0 : i32
    %ne3A_331 = arith.cmpi ne, %rem3A_329, %ne3A_330 : i32
    %and3A_332 = arith.andi %ne3A_328, %ne3A_331 : i1
    %sub3A_333 = arith.constant 1 : i32
    %sub3A_334 = arith.subi %div3A_313, %sub3A_333 : i32
    %select_n3A_335 = arith.select %and3A_332, %sub3A_334, %div3A_313 : i32
    %sub3A_336 = arith.subi %mul3A_2, %select_n3A_335 : i32
    %add3A_337 = arith.addi %add3A_308, %sub3A_336 : i32
    %barrier3A = arith.constant 0 : index
    tpu.barrier barrier_id(%barrier3A)
    "tpu.region"() ({
      %run_scoped3A = tpu.sem_alloc : memref<!tpu.dma_semaphore, #tpu.memory_space<semaphore_mem>>
      tpu.enqueue_dma source(%arg7 : memref<100x128xf32, #tpu.memory_space<vmem_shared>>) target(%arg9 : memref<100x128xf32, #tpu.memory_space<vmem>>) target_semaphore(%run_scoped3A : memref<!tpu.dma_semaphore, #tpu.memory_space<semaphore_mem>>)
      tpu.wait_dma2 semaphore(%run_scoped3A : memref<!tpu.dma_semaphore, #tpu.memory_space<semaphore_mem>>) src(%arg7 : memref<100x128xf32, #tpu.memory_space<vmem_shared>>) dst(%arg9 : memref<100x128xf32, #tpu.memory_space<vmem>>)
      tpu.yield
    }) : () -> ()
    "tpu.region"() ({
      %run_scoped3A = tpu.sem_alloc : memref<!tpu.dma_semaphore, #tpu.memory_space<semaphore_mem>>
      tpu.enqueue_dma source(%arg8 : memref<100x128xf32, #tpu.memory_space<vmem_shared>>) target(%arg10 : memref<100x128xf32, #tpu.memory_space<vmem>>) target_semaphore(%run_scoped3A : memref<!tpu.dma_semaphore, #tpu.memory_space<semaphore_mem>>)
      tpu.wait_dma2 semaphore(%run_scoped3A : memref<!tpu.dma_semaphore, #tpu.memory_space<semaphore_mem>>) src(%arg8 : memref<100x128xf32, #tpu.memory_space<vmem_shared>>) dst(%arg10 : memref<100x128xf32, #tpu.memory_space<vmem>>)
      tpu.yield
    }) : () -> ()
    %get3A = arith.constant 0 : i32
    %get3A_338 = arith.index_cast %get3A : i32 to index
    %get3A_339 = arith.constant 0 : index
    %get3A_340 = tpu.vector_load %arg13[%get3A_338, %get3A_339] {strides = array<i32>} : memref<1x144xf32, #tpu.memory_space<vmem>>, vector<16xf32>,
    %get3A_341 = arith.constant 0 : i32
    %get3A_342 = arith.index_cast %get3A_341 : i32 to index
    %get3A_343 = arith.constant 16 : index
    %get3A_344 = tpu.vector_load %arg13[%get3A_342, %get3A_343] {strides = array<i32>} : memref<1x144xf32, #tpu.memory_space<vmem>>, vector<16xf32>,
    %get3A_345 = arith.constant 0 : i32
    %get3A_346 = arith.index_cast %get3A_345 : i32 to index
    %get3A_347 = arith.constant 32 : index
    %get3A_348 = tpu.vector_load %arg13[%get3A_346, %get3A_347] {strides = array<i32>} : memref<1x144xf32, #tpu.memory_space<vmem>>, vector<16xf32>,
    %get3A_349 = arith.constant 0 : i32
    %get3A_350 = arith.index_cast %get3A_349 : i32 to index
    %get3A_351 = arith.constant 48 : index
    %get3A_352 = tpu.vector_load %arg13[%get3A_350, %get3A_351] {strides = array<i32>} : memref<1x144xf32, #tpu.memory_space<vmem>>, vector<16xf32>,
    %get3A_353 = arith.constant 0 : i32
    %get3A_354 = arith.index_cast %get3A_353 : i32 to index
    %get3A_355 = arith.constant 64 : index
    %get3A_356 = tpu.vector_load %arg13[%get3A_354, %get3A_355] {strides = array<i32>} : memref<1x144xf32, #tpu.memory_space<vmem>>, vector<16xf32>,
    %get3A_357 = arith.constant 0 : i32
    %get3A_358 = arith.index_cast %get3A_357 : i32 to index
    %get3A_359 = arith.constant 80 : index
    %get3A_360 = tpu.vector_load %arg13[%get3A_358, %get3A_359] {strides = array<i32>} : memref<1x144xf32, #tpu.memory_space<vmem>>, vector<16xf32>,
    %get3A_361 = arith.constant 0 : i32
    %get3A_362 = arith.index_cast %get3A_361 : i32 to index
    %get3A_363 = arith.constant 96 : index
    %get3A_364 = tpu.vector_load %arg13[%get3A_362, %get3A_363] {strides = array<i32>} : memref<1x144xf32, #tpu.memory_space<vmem>>, vector<16xf32>,
    %get3A_365 = arith.constant 0 : i32
    %get3A_366 = arith.index_cast %get3A_365 : i32 to index
    %get3A_367 = arith.constant 112 : index
    %get3A_368 = tpu.vector_load %arg13[%get3A_366, %get3A_367] {strides = array<i32>} : memref<1x144xf32, #tpu.memory_space<vmem>>, vector<16xf32>,
    %get3A_369 = arith.constant 0 : i32
    %get3A_370 = arith.index_cast %get3A_369 : i32 to index
    %get3A_371 = arith.constant 128 : index
    %get3A_372 = tpu.vector_load %arg13[%get3A_370, %get3A_371] {strides = array<i32>} : memref<1x144xf32, #tpu.memory_space<vmem>>, vector<16xf32>,
    %iota3A_373 = tpu.iota {dimensions = array<i32: 0>} : vector<16xi32>
    %mul3A_374 = arith.constant 17 : i32
    %mul3A_375 = vector.broadcast %mul3A_374 : i32 to vector<16xi32>
    %mul3A_376 = arith.muli %iota3A_373, %mul3A_375 : vector<16xi32>
    %scan3A = arith.constant 99 : i32
    %scan3A_377 = arith.constant 0 : i32
    %scan3A_378 = arith.constant 10 : i32
    %scan3A_379 = arith.addi %scan3A_377, %scan3A_378 : i32
    %scan3A_380 = arith.constant 1 : i32
    %scan3A_381:2 = scf.for %scan3A_383 = %scan3A_377 to %scan3A_379 step %scan3A_380 iter_args(%scan3A_384 = %add3A_306, %scan3A_385 = %add3A_337) -> (i32, i32)  : i32 {
      %scan3A_386 = arith.constant 0 : i32
      %scan3A_387 = arith.constant 16 : i32
      %scan3A_388 = arith.addi %scan3A_386, %scan3A_387 : i32
      %scan3A_389 = arith.constant 1 : i32
      %scan3A_390:2 = scf.for %scan3A_458 = %scan3A_386 to %scan3A_388 step %scan3A_389 iter_args(%scan3A_459 = %scan3A_384, %scan3A_460 = %scan3A_385) -> (i32, i32)  : i32 {
        %min3A = arith.minsi %scan3A_459, %scan3A : i32
        %min3A_461 = arith.minsi %scan3A_460, %scan3A : i32
        %broadcast_in_dim3A = arith.constant 0.000000e+00 : f32
        %broadcast_in_dim3A_462 = vector.broadcast %broadcast_in_dim3A : f32 to vector<16xf32>
        %get3A_463 = arith.index_cast %min3A : i32 to index
        %get3A_464 = arith.constant 0 : index
        %get3A_465 = tpu.vector_load %arg9[%get3A_463, %get3A_464] {strides = array<i32>} : memref<100x128xf32, #tpu.memory_space<vmem>>, vector<16xf32>,
        %get3A_466 = arith.index_cast %min3A_461 : i32 to index
        %get3A_467 = arith.constant 0 : index
        %get3A_468 = tpu.vector_load %arg10[%get3A_466, %get3A_467] {strides = array<i32>} : memref<100x128xf32, #tpu.memory_space<vmem>>, vector<16xf32>,
        %add3A_469 = arith.addf %get3A_465, %get3A_468 : vector<16xf32>
        %max3A = arith.constant 0.000000e+00 : f32
        %max3A_470 = vector.broadcast %max3A : f32 to vector<16xf32>
        %max3A_471 = arith.maximumf %add3A_469, %max3A_470 : vector<16xf32>
        %mul3A_472 = arith.mulf %max3A_471, %get3A_340 : vector<16xf32>
        %add3A_473 = arith.addf %broadcast_in_dim3A_462, %mul3A_472 : vector<16xf32>
        %get3A_474 = arith.index_cast %min3A : i32 to index
        %get3A_475 = arith.constant 16 : index
        %get3A_476 = tpu.vector_load %arg9[%get3A_474, %get3A_475] {strides = array<i32>} : memref<100x128xf32, #tpu.memory_space<vmem>>, vector<16xf32>,
        %get3A_477 = arith.index_cast %min3A_461 : i32 to index
        %get3A_478 = arith.constant 16 : index
        %get3A_479 = tpu.vector_load %arg10[%get3A_477, %get3A_478] {strides = array<i32>} : memref<100x128xf32, #tpu.memory_space<vmem>>, vector<16xf32>,
        %add3A_480 = arith.addf %get3A_476, %get3A_479 : vector<16xf32>
        %max3A_481 = arith.constant 0.000000e+00 : f32
        %max3A_482 = vector.broadcast %max3A_481 : f32 to vector<16xf32>
        %max3A_483 = arith.maximumf %add3A_480, %max3A_482 : vector<16xf32>
        %mul3A_484 = arith.mulf %max3A_483, %get3A_344 : vector<16xf32>
        %add3A_485 = arith.addf %add3A_473, %mul3A_484 : vector<16xf32>
        %get3A_486 = arith.index_cast %min3A : i32 to index
        %get3A_487 = arith.constant 32 : index
        %get3A_488 = tpu.vector_load %arg9[%get3A_486, %get3A_487] {strides = array<i32>} : memref<100x128xf32, #tpu.memory_space<vmem>>, vector<16xf32>,
        %get3A_489 = arith.index_cast %min3A_461 : i32 to index
        %get3A_490 = arith.constant 32 : index
        %get3A_491 = tpu.vector_load %arg10[%get3A_489, %get3A_490] {strides = array<i32>} : memref<100x128xf32, #tpu.memory_space<vmem>>, vector<16xf32>,
        %add3A_492 = arith.addf %get3A_488, %get3A_491 : vector<16xf32>
        %max3A_493 = arith.constant 0.000000e+00 : f32
        %max3A_494 = vector.broadcast %max3A_493 : f32 to vector<16xf32>
        %max3A_495 = arith.maximumf %add3A_492, %max3A_494 : vector<16xf32>
        %mul3A_496 = arith.mulf %max3A_495, %get3A_348 : vector<16xf32>
        %add3A_497 = arith.addf %add3A_485, %mul3A_496 : vector<16xf32>
        %get3A_498 = arith.index_cast %min3A : i32 to index
        %get3A_499 = arith.constant 48 : index
        %get3A_500 = tpu.vector_load %arg9[%get3A_498, %get3A_499] {strides = array<i32>} : memref<100x128xf32, #tpu.memory_space<vmem>>, vector<16xf32>,
        %get3A_501 = arith.index_cast %min3A_461 : i32 to index
        %get3A_502 = arith.constant 48 : index
        %get3A_503 = tpu.vector_load %arg10[%get3A_501, %get3A_502] {strides = array<i32>} : memref<100x128xf32, #tpu.memory_space<vmem>>, vector<16xf32>,
        %add3A_504 = arith.addf %get3A_500, %get3A_503 : vector<16xf32>
        %max3A_505 = arith.constant 0.000000e+00 : f32
        %max3A_506 = vector.broadcast %max3A_505 : f32 to vector<16xf32>
        %max3A_507 = arith.maximumf %add3A_504, %max3A_506 : vector<16xf32>
        %mul3A_508 = arith.mulf %max3A_507, %get3A_352 : vector<16xf32>
        %add3A_509 = arith.addf %add3A_497, %mul3A_508 : vector<16xf32>
        %get3A_510 = arith.index_cast %min3A : i32 to index
        %get3A_511 = arith.constant 64 : index
        %get3A_512 = tpu.vector_load %arg9[%get3A_510, %get3A_511] {strides = array<i32>} : memref<100x128xf32, #tpu.memory_space<vmem>>, vector<16xf32>,
        %get3A_513 = arith.index_cast %min3A_461 : i32 to index
        %get3A_514 = arith.constant 64 : index
        %get3A_515 = tpu.vector_load %arg10[%get3A_513, %get3A_514] {strides = array<i32>} : memref<100x128xf32, #tpu.memory_space<vmem>>, vector<16xf32>,
        %add3A_516 = arith.addf %get3A_512, %get3A_515 : vector<16xf32>
        %max3A_517 = arith.constant 0.000000e+00 : f32
        %max3A_518 = vector.broadcast %max3A_517 : f32 to vector<16xf32>
        %max3A_519 = arith.maximumf %add3A_516, %max3A_518 : vector<16xf32>
        %mul3A_520 = arith.mulf %max3A_519, %get3A_356 : vector<16xf32>
        %add3A_521 = arith.addf %add3A_509, %mul3A_520 : vector<16xf32>
        %get3A_522 = arith.index_cast %min3A : i32 to index
        %get3A_523 = arith.constant 80 : index
        %get3A_524 = tpu.vector_load %arg9[%get3A_522, %get3A_523] {strides = array<i32>} : memref<100x128xf32, #tpu.memory_space<vmem>>, vector<16xf32>,
        %get3A_525 = arith.index_cast %min3A_461 : i32 to index
        %get3A_526 = arith.constant 80 : index
        %get3A_527 = tpu.vector_load %arg10[%get3A_525, %get3A_526] {strides = array<i32>} : memref<100x128xf32, #tpu.memory_space<vmem>>, vector<16xf32>,
        %add3A_528 = arith.addf %get3A_524, %get3A_527 : vector<16xf32>
        %max3A_529 = arith.constant 0.000000e+00 : f32
        %max3A_530 = vector.broadcast %max3A_529 : f32 to vector<16xf32>
        %max3A_531 = arith.maximumf %add3A_528, %max3A_530 : vector<16xf32>
        %mul3A_532 = arith.mulf %max3A_531, %get3A_360 : vector<16xf32>
        %add3A_533 = arith.addf %add3A_521, %mul3A_532 : vector<16xf32>
        %get3A_534 = arith.index_cast %min3A : i32 to index
        %get3A_535 = arith.constant 96 : index
        %get3A_536 = tpu.vector_load %arg9[%get3A_534, %get3A_535] {strides = array<i32>} : memref<100x128xf32, #tpu.memory_space<vmem>>, vector<16xf32>,
        %get3A_537 = arith.index_cast %min3A_461 : i32 to index
        %get3A_538 = arith.constant 96 : index
        %get3A_539 = tpu.vector_load %arg10[%get3A_537, %get3A_538] {strides = array<i32>} : memref<100x128xf32, #tpu.memory_space<vmem>>, vector<16xf32>,
        %add3A_540 = arith.addf %get3A_536, %get3A_539 : vector<16xf32>
        %max3A_541 = arith.constant 0.000000e+00 : f32
        %max3A_542 = vector.broadcast %max3A_541 : f32 to vector<16xf32>
        %max3A_543 = arith.maximumf %add3A_540, %max3A_542 : vector<16xf32>
        %mul3A_544 = arith.mulf %max3A_543, %get3A_364 : vector<16xf32>
        %add3A_545 = arith.addf %add3A_533, %mul3A_544 : vector<16xf32>
        %get3A_546 = arith.index_cast %min3A : i32 to index
        %get3A_547 = arith.constant 112 : index
        %get3A_548 = tpu.vector_load %arg9[%get3A_546, %get3A_547] {strides = array<i32>} : memref<100x128xf32, #tpu.memory_space<vmem>>, vector<16xf32>,
        %get3A_549 = arith.index_cast %min3A_461 : i32 to index
        %get3A_550 = arith.constant 112 : index
        %get3A_551 = tpu.vector_load %arg10[%get3A_549, %get3A_550] {strides = array<i32>} : memref<100x128xf32, #tpu.memory_space<vmem>>, vector<16xf32>,
        %add3A_552 = arith.addf %get3A_548, %get3A_551 : vector<16xf32>
        %max3A_553 = arith.constant 0.000000e+00 : f32
        %max3A_554 = vector.broadcast %max3A_553 : f32 to vector<16xf32>
        %max3A_555 = arith.maximumf %add3A_552, %max3A_554 : vector<16xf32>
        %mul3A_556 = arith.mulf %max3A_555, %get3A_368 : vector<16xf32>
        %add3A_557 = arith.addf %add3A_545, %mul3A_556 : vector<16xf32>
        %add3A_558 = vector.broadcast %scan3A_458 : i32 to vector<16xi32>
        %add3A_559 = arith.addi %mul3A_376, %add3A_558 : vector<16xi32>
        tpu.vector_store_idx %arg14[%add3A_559], %add3A_557 : memref<272xf32, #tpu.memory_space<vmem>>[vector<16xi32>], vector<16xf32>,
        %ge3A = arith.cmpi sge, %scan3A_460, %scan3A : i32
        %add3A_560 = arith.constant 1 : i32
        %add3A_561 = arith.addi %scan3A_459, %add3A_560 : i32
        %select_n3A_562 = arith.select %ge3A, %add3A_561, %scan3A_459 : i32
        %add3A_563 = arith.constant 1 : i32
        %add3A_564 = arith.addi %select_n3A_562, %add3A_563 : i32
        %add3A_565 = arith.constant 1 : i32
        %add3A_566 = arith.addi %scan3A_460, %add3A_565 : i32
        %select_n3A_567 = arith.select %ge3A, %add3A_564, %add3A_566 : i32
        scf.yield %select_n3A_562, %select_n3A_567 : i32, i32
      }
      %scan3A_391 = arith.constant 16 : i32
      %get3A_392 = arith.constant 0 : index
      %get3A_393 = tpu.vector_load %arg14[%get3A_392] {strides = array<i32>} : memref<272xf32, #tpu.memory_space<vmem>>, vector<16xf32>,
      %add3A_394 = arith.addf %get3A_372, %get3A_393 : vector<16xf32>
      %get3A_395 = arith.constant 17 : index
      %get3A_396 = tpu.vector_load %arg14[%get3A_395] {strides = array<i32>} : memref<272xf32, #tpu.memory_space<vmem>>, vector<16xf32>,
      %add3A_397 = arith.addf %add3A_394, %get3A_396 : vector<16xf32>
      %get3A_398 = arith.constant 34 : index
      %get3A_399 = tpu.vector_load %arg14[%get3A_398] {strides = array<i32>} : memref<272xf32, #tpu.memory_space<vmem>>, vector<16xf32>,
      %add3A_400 = arith.addf %add3A_397, %get3A_399 : vector<16xf32>
      %get3A_401 = arith.constant 51 : index
      %get3A_402 = tpu.vector_load %arg14[%get3A_401] {strides = array<i32>} : memref<272xf32, #tpu.memory_space<vmem>>, vector<16xf32>,
      %add3A_403 = arith.addf %add3A_400, %get3A_402 : vector<16xf32>
      %get3A_404 = arith.constant 68 : index
      %get3A_405 = tpu.vector_load %arg14[%get3A_404] {strides = array<i32>} : memref<272xf32, #tpu.memory_space<vmem>>, vector<16xf32>,
      %add3A_406 = arith.addf %add3A_403, %get3A_405 : vector<16xf32>
      %get3A_407 = arith.constant 85 : index
      %get3A_408 = tpu.vector_load %arg14[%get3A_407] {strides = array<i32>} : memref<272xf32, #tpu.memory_space<vmem>>, vector<16xf32>,
      %add3A_409 = arith.addf %add3A_406, %get3A_408 : vector<16xf32>
      %get3A_410 = arith.constant 102 : index
      %get3A_411 = tpu.vector_load %arg14[%get3A_410] {strides = array<i32>} : memref<272xf32, #tpu.memory_space<vmem>>, vector<16xf32>,
      %add3A_412 = arith.addf %add3A_409, %get3A_411 : vector<16xf32>
      %get3A_413 = arith.constant 119 : index
      %get3A_414 = tpu.vector_load %arg14[%get3A_413] {strides = array<i32>} : memref<272xf32, #tpu.memory_space<vmem>>, vector<16xf32>,
      %add3A_415 = arith.addf %add3A_412, %get3A_414 : vector<16xf32>
      %get3A_416 = arith.constant 136 : index
      %get3A_417 = tpu.vector_load %arg14[%get3A_416] {strides = array<i32>} : memref<272xf32, #tpu.memory_space<vmem>>, vector<16xf32>,
      %add3A_418 = arith.addf %add3A_415, %get3A_417 : vector<16xf32>
      %get3A_419 = arith.constant 153 : index
      %get3A_420 = tpu.vector_load %arg14[%get3A_419] {strides = array<i32>} : memref<272xf32, #tpu.memory_space<vmem>>, vector<16xf32>,
      %add3A_421 = arith.addf %add3A_418, %get3A_420 : vector<16xf32>
      %get3A_422 = arith.constant 170 : index
      %get3A_423 = tpu.vector_load %arg14[%get3A_422] {strides = array<i32>} : memref<272xf32, #tpu.memory_space<vmem>>, vector<16xf32>,
      %add3A_424 = arith.addf %add3A_421, %get3A_423 : vector<16xf32>
      %get3A_425 = arith.constant 187 : index
      %get3A_426 = tpu.vector_load %arg14[%get3A_425] {strides = array<i32>} : memref<272xf32, #tpu.memory_space<vmem>>, vector<16xf32>,
      %add3A_427 = arith.addf %add3A_424, %get3A_426 : vector<16xf32>
      %get3A_428 = arith.constant 204 : index
      %get3A_429 = tpu.vector_load %arg14[%get3A_428] {strides = array<i32>} : memref<272xf32, #tpu.memory_space<vmem>>, vector<16xf32>,
      %add3A_430 = arith.addf %add3A_427, %get3A_429 : vector<16xf32>
      %get3A_431 = arith.constant 221 : index
      %get3A_432 = tpu.vector_load %arg14[%get3A_431] {strides = array<i32>} : memref<272xf32, #tpu.memory_space<vmem>>, vector<16xf32>,
      %add3A_433 = arith.addf %add3A_430, %get3A_432 : vector<16xf32>
      %get3A_434 = arith.constant 238 : index
      %get3A_435 = tpu.vector_load %arg14[%get3A_434] {strides = array<i32>} : memref<272xf32, #tpu.memory_space<vmem>>, vector<16xf32>,
      %add3A_436 = arith.addf %add3A_433, %get3A_435 : vector<16xf32>
      %get3A_437 = arith.constant 255 : index
      %get3A_438 = tpu.vector_load %arg14[%get3A_437] {strides = array<i32>} : memref<272xf32, #tpu.memory_space<vmem>>, vector<16xf32>,
      %add3A_439 = arith.addf %add3A_436, %get3A_438 : vector<16xf32>
      %neg3A = arith.constant 0.000000e+00 : f32
      %neg3A_440 = vector.broadcast %neg3A : f32 to vector<16xf32>
      %neg3A_441 = arith.subf %neg3A_440, %add3A_439 : vector<16xf32>
      %exp3A = math.exp %neg3A_441 : vector<16xf32>
      %add3A_442 = arith.constant 1.000000e+00 : f32
      %add3A_443 = vector.broadcast %add3A_442 : f32 to vector<16xf32>
      %add3A_444 = arith.addf %add3A_443, %exp3A : vector<16xf32>
      %div3A_445 = arith.constant 1.000000e+00 : f32
      %div3A_446 = vector.broadcast %div3A_445 : f32 to vector<16xf32>
      %div3A_447 = arith.divf %div3A_446, %add3A_444 : vector<16xf32>
      %mul3A_448 = arith.constant 16 : i32
      %mul3A_449 = arith.muli %scan3A_383, %mul3A_448 : i32
      %swap3A = arith.index_cast %mul3A_449 : i32 to index
      %swap3A_450 = tpu.vector_load %arg11[%swap3A] {strides = array<i32>} : memref<160xf32, #tpu.memory_space<vmem>>, vector<16xf32>,
      tpu.vector_store %arg11[%swap3A], %div3A_447 {strides = array<i32>} : memref<160xf32, #tpu.memory_space<vmem>>, vector<16xf32>,
      %sub3A_451 = arith.constant 1.000000e+00 : f32
      %sub3A_452 = vector.broadcast %sub3A_451 : f32 to vector<16xf32>
      %sub3A_453 = arith.subf %sub3A_452, %div3A_447 : vector<16xf32>
      %mul3A_454 = arith.constant 16 : i32
      %mul3A_455 = arith.muli %scan3A_383, %mul3A_454 : i32
      %swap3A_456 = arith.index_cast %mul3A_455 : i32 to index
      %swap3A_457 = tpu.vector_load %arg12[%swap3A_456] {strides = array<i32>} : memref<160xf32, #tpu.memory_space<vmem>>, vector<16xf32>,
      tpu.vector_store %arg12[%swap3A_456], %sub3A_453 {strides = array<i32>} : memref<160xf32, #tpu.memory_space<vmem>>, vector<16xf32>,
      scf.yield %scan3A_390#0, %scan3A_390#1 : i32, i32
    }
    %scan3A_382 = arith.constant 10 : i32
    "tpu.region"() ({
      %run_scoped3A = tpu.sem_alloc : memref<!tpu.dma_semaphore, #tpu.memory_space<semaphore_mem>>
      %dma_start3A = tpu.memref_slice %arg5[%mul3A_2] : memref<5120xf32, #tpu.memory_space<hbm>> -> memref<160xf32, #tpu.memory_space<hbm>>
      %dma_start3A_383 = tpu.memref_slice %arg5[%mul3A_2] : memref<5120xf32, #tpu.memory_space<hbm>> -> memref<160xf32, #tpu.memory_space<hbm>>
      tpu.enqueue_dma source(%arg11 : memref<160xf32, #tpu.memory_space<vmem>>) target(%dma_start3A_383 : memref<160xf32, #tpu.memory_space<hbm>>) target_semaphore(%run_scoped3A : memref<!tpu.dma_semaphore, #tpu.memory_space<semaphore_mem>>)
      %dma_wait3A = tpu.memref_slice %arg5[%mul3A_2] : memref<5120xf32, #tpu.memory_space<hbm>> -> memref<160xf32, #tpu.memory_space<hbm>>
      %dma_wait3A_384 = tpu.memref_slice %arg5[%mul3A_2] : memref<5120xf32, #tpu.memory_space<hbm>> -> memref<160xf32, #tpu.memory_space<hbm>>
      tpu.wait_dma2 semaphore(%run_scoped3A : memref<!tpu.dma_semaphore, #tpu.memory_space<semaphore_mem>>) src(%arg11 : memref<160xf32, #tpu.memory_space<vmem>>) dst(%dma_wait3A_384 : memref<160xf32, #tpu.memory_space<hbm>>)
      tpu.yield
    }) : () -> ()
    "tpu.region"() ({
      %run_scoped3A = tpu.sem_alloc : memref<!tpu.dma_semaphore, #tpu.memory_space<semaphore_mem>>
      %dma_start3A = tpu.memref_slice %arg6[%mul3A_2] : memref<5120xf32, #tpu.memory_space<hbm>> -> memref<160xf32, #tpu.memory_space<hbm>>
      %dma_start3A_383 = tpu.memref_slice %arg6[%mul3A_2] : memref<5120xf32, #tpu.memory_space<hbm>> -> memref<160xf32, #tpu.memory_space<hbm>>
      tpu.enqueue_dma source(%arg12 : memref<160xf32, #tpu.memory_space<vmem>>) target(%dma_start3A_383 : memref<160xf32, #tpu.memory_space<hbm>>) target_semaphore(%run_scoped3A : memref<!tpu.dma_semaphore, #tpu.memory_space<semaphore_mem>>)
      %dma_wait3A = tpu.memref_slice %arg6[%mul3A_2] : memref<5120xf32, #tpu.memory_space<hbm>> -> memref<160xf32, #tpu.memory_space<hbm>>
      %dma_wait3A_384 = tpu.memref_slice %arg6[%mul3A_2] : memref<5120xf32, #tpu.memory_space<hbm>> -> memref<160xf32, #tpu.memory_space<hbm>>
      tpu.wait_dma2 semaphore(%run_scoped3A : memref<!tpu.dma_semaphore, #tpu.memory_space<semaphore_mem>>) src(%arg12 : memref<160xf32, #tpu.memory_space<vmem>>) dst(%dma_wait3A_384 : memref<160xf32, #tpu.memory_space<hbm>>)
      tpu.yield
    }) : () -> ()
    return
  }
}

module attributes {stable_mosaic.version = 14 : i64} {
  func.func @_tc_body(%arg0: memref<100x100xf32, #tpu.memory_space<vmem>>, %arg1: memref<100x41xf32, #tpu.memory_space<vmem>>, %arg2: memref<41x41xf32, #tpu.memory_space<vmem>>, %arg3: memref<41x41xf32, #tpu.memory_space<vmem>>, %arg4: memref<41x41xf32, #tpu.memory_space<vmem>>, %arg5: memref<41x41xf32, #tpu.memory_space<vmem>>, %arg6: memref<82x128xf32, #tpu.memory_space<vmem>>, %arg7: memref<1x128xf32, #tpu.memory_space<vmem>>, %arg8: memref<2x128xf32, #tpu.memory_space<vmem>>, %arg9: memref<1x2xf32, #tpu.memory_space<vmem>>, %arg10: memref<100x128xf32, #tpu.memory_space<vmem>>, %arg11: memref<100x128xf32, #tpu.memory_space<vmem>>, %arg12: memref<1x144xf32, #tpu.memory_space<vmem>>) attributes {dimension_semantics = [], scalar_prefetch = 0 : i64, scratch_operands = 0 : i64, tpu.core_type = #tpu.core_type<tc>} {
    %get3A = arith.constant 0 : index
    %get3A_0 = arith.constant 0 : index
    %get3A_1 = vector.load %arg0[%get3A, %get3A_0] : memref<100x100xf32, #tpu.memory_space<vmem>>, vector<100x100xf32>
    %reduce_sum3A = arith.constant dense<0.000000e+00> : vector<100xf32>
    %reduce_sum3A_2 = vector.multi_reduction <add>, %get3A_1, %reduce_sum3A [1] : vector<100x100xf32> to vector<100xf32>
    %broadcast_in_dim3A = vector.shape_cast %reduce_sum3A_2 : vector<100xf32> to vector<100x1xf32>
    %max3A = arith.constant 1.000000e+00 : f32
    %max3A_3 = vector.broadcast %max3A : f32 to vector<100x1xf32>
    %max3A_4 = arith.maximumf %broadcast_in_dim3A, %max3A_3 : vector<100x1xf32>
    %div3A = vector.broadcast %max3A_4 : vector<100x1xf32> to vector<100x100xf32>
    %div3A_5 = arith.divf %get3A_1, %div3A : vector<100x100xf32>
    %get3A_6 = arith.constant 0 : index
    %get3A_7 = arith.constant 0 : index
    %get3A_8 = vector.load %arg1[%get3A_6, %get3A_7] : memref<100x41xf32, #tpu.memory_space<vmem>>, vector<100x41xf32>
    %dot_general3A = arith.constant dense<0.000000e+00> : vector<100x41xf32>
    %dot_general3A_9 = tpu.matmul %div3A_5, %get3A_8, %dot_general3A {dimension_numbers = #tpu.dot_dimension_numbers<[1], [0], [0], [1], [0, 0, 1, 1], [], []>, transpose_lhs_hint = false} : vector<100x100xf32>, vector<100x41xf32>, vector<100x41xf32> -> vector<100x41xf32>
    %get3A_10 = arith.constant 0 : index
    %get3A_11 = arith.constant 0 : index
    %get3A_12 = vector.load %arg2[%get3A_10, %get3A_11] : memref<41x41xf32, #tpu.memory_space<vmem>>, vector<41x41xf32>
    %dot_general3A_13 = arith.constant dense<0.000000e+00> : vector<100x41xf32>
    %dot_general3A_14 = tpu.matmul %dot_general3A_9, %get3A_12, %dot_general3A_13 {dimension_numbers = #tpu.dot_dimension_numbers<[1], [0], [0], [1], [0, 0, 1, 1], [], []>, transpose_lhs_hint = false} : vector<100x41xf32>, vector<41x41xf32>, vector<100x41xf32> -> vector<100x41xf32>
    %max3A_15 = arith.constant 0.000000e+00 : f32
    %max3A_16 = vector.broadcast %max3A_15 : f32 to vector<100x41xf32>
    %max3A_17 = arith.maximumf %dot_general3A_14, %max3A_16 : vector<100x41xf32>
    %dot_general3A_18 = arith.constant dense<0.000000e+00> : vector<100x41xf32>
    %dot_general3A_19 = tpu.matmul %div3A_5, %max3A_17, %dot_general3A_18 {dimension_numbers = #tpu.dot_dimension_numbers<[1], [0], [0], [1], [0, 0, 1, 1], [], []>, transpose_lhs_hint = false} : vector<100x100xf32>, vector<100x41xf32>, vector<100x41xf32> -> vector<100x41xf32>
    %get3A_20 = arith.constant 0 : index
    %get3A_21 = arith.constant 0 : index
    %get3A_22 = vector.load %arg3[%get3A_20, %get3A_21] : memref<41x41xf32, #tpu.memory_space<vmem>>, vector<41x41xf32>
    %dot_general3A_23 = arith.constant dense<0.000000e+00> : vector<100x41xf32>
    %dot_general3A_24 = tpu.matmul %dot_general3A_19, %get3A_22, %dot_general3A_23 {dimension_numbers = #tpu.dot_dimension_numbers<[1], [0], [0], [1], [0, 0, 1, 1], [], []>, transpose_lhs_hint = false} : vector<100x41xf32>, vector<41x41xf32>, vector<100x41xf32> -> vector<100x41xf32>
    %max3A_25 = arith.constant 0.000000e+00 : f32
    %max3A_26 = vector.broadcast %max3A_25 : f32 to vector<100x41xf32>
    %max3A_27 = arith.maximumf %dot_general3A_24, %max3A_26 : vector<100x41xf32>
    %dot_general3A_28 = arith.constant dense<0.000000e+00> : vector<100x41xf32>
    %dot_general3A_29 = tpu.matmul %div3A_5, %max3A_27, %dot_general3A_28 {dimension_numbers = #tpu.dot_dimension_numbers<[1], [0], [0], [1], [0, 0, 1, 1], [], []>, transpose_lhs_hint = false} : vector<100x100xf32>, vector<100x41xf32>, vector<100x41xf32> -> vector<100x41xf32>
    %get3A_30 = arith.constant 0 : index
    %get3A_31 = arith.constant 0 : index
    %get3A_32 = vector.load %arg4[%get3A_30, %get3A_31] : memref<41x41xf32, #tpu.memory_space<vmem>>, vector<41x41xf32>
    %dot_general3A_33 = arith.constant dense<0.000000e+00> : vector<100x41xf32>
    %dot_general3A_34 = tpu.matmul %dot_general3A_29, %get3A_32, %dot_general3A_33 {dimension_numbers = #tpu.dot_dimension_numbers<[1], [0], [0], [1], [0, 0, 1, 1], [], []>, transpose_lhs_hint = false} : vector<100x41xf32>, vector<41x41xf32>, vector<100x41xf32> -> vector<100x41xf32>
    %max3A_35 = arith.constant 0.000000e+00 : f32
    %max3A_36 = vector.broadcast %max3A_35 : f32 to vector<100x41xf32>
    %max3A_37 = arith.maximumf %dot_general3A_34, %max3A_36 : vector<100x41xf32>
    %dot_general3A_38 = arith.constant dense<0.000000e+00> : vector<100x41xf32>
    %dot_general3A_39 = tpu.matmul %div3A_5, %max3A_37, %dot_general3A_38 {dimension_numbers = #tpu.dot_dimension_numbers<[1], [0], [0], [1], [0, 0, 1, 1], [], []>, transpose_lhs_hint = false} : vector<100x100xf32>, vector<100x41xf32>, vector<100x41xf32> -> vector<100x41xf32>
    %get3A_40 = arith.constant 0 : index
    %get3A_41 = arith.constant 0 : index
    %get3A_42 = vector.load %arg5[%get3A_40, %get3A_41] : memref<41x41xf32, #tpu.memory_space<vmem>>, vector<41x41xf32>
    %dot_general3A_43 = arith.constant dense<0.000000e+00> : vector<100x41xf32>
    %dot_general3A_44 = tpu.matmul %dot_general3A_39, %get3A_42, %dot_general3A_43 {dimension_numbers = #tpu.dot_dimension_numbers<[1], [0], [0], [1], [0, 0, 1, 1], [], []>, transpose_lhs_hint = false} : vector<100x41xf32>, vector<41x41xf32>, vector<100x41xf32> -> vector<100x41xf32>
    %max3A_45 = arith.constant 0.000000e+00 : f32
    %max3A_46 = vector.broadcast %max3A_45 : f32 to vector<100x41xf32>
    %max3A_47 = arith.maximumf %dot_general3A_44, %max3A_46 : vector<100x41xf32>
    %get3A_48 = arith.constant 0 : index
    %get3A_49 = arith.constant 0 : index
    %get3A_50 = vector.load %arg6[%get3A_48, %get3A_49] : memref<82x128xf32, #tpu.memory_space<vmem>>, vector<82x128xf32>
    %slice3A = vector.extract_strided_slice %get3A_50 {offsets = [0, 0], sizes = [41, 128], strides = [1, 1]} : vector<82x128xf32> to vector<41x128xf32>
    %dot_general3A_51 = arith.constant dense<0.000000e+00> : vector<100x128xf32>
    %dot_general3A_52 = tpu.matmul %max3A_47, %slice3A, %dot_general3A_51 {dimension_numbers = #tpu.dot_dimension_numbers<[1], [0], [0], [1], [0, 0, 1, 1], [], []>, transpose_lhs_hint = false} : vector<100x41xf32>, vector<41x128xf32>, vector<100x128xf32> -> vector<100x128xf32>
    %get3A_53 = arith.constant 0 : index
    %get3A_54 = arith.constant 0 : index
    %get3A_55 = vector.load %arg7[%get3A_53, %get3A_54] : memref<1x128xf32, #tpu.memory_space<vmem>>, vector<1x128xf32>
    %add3A = vector.broadcast %get3A_55 : vector<1x128xf32> to vector<100x128xf32>
    %add3A_56 = arith.addf %dot_general3A_52, %add3A : vector<100x128xf32>
    %swap3A = arith.constant 0 : index
    %swap3A_57 = arith.constant 0 : index
    %swap3A_58 = vector.load %arg10[%swap3A, %swap3A_57] : memref<100x128xf32, #tpu.memory_space<vmem>>, vector<100x128xf32>
    tpu.vector_store %arg10[%swap3A, %swap3A_57], %add3A_56 {strides = array<i32>} : memref<100x128xf32, #tpu.memory_space<vmem>>, vector<100x128xf32>,
    %slice3A_59 = vector.extract_strided_slice %get3A_50 {offsets = [41, 0], sizes = [41, 128], strides = [1, 1]} : vector<82x128xf32> to vector<41x128xf32>
    %dot_general3A_60 = arith.constant dense<0.000000e+00> : vector<100x128xf32>
    %dot_general3A_61 = tpu.matmul %max3A_47, %slice3A_59, %dot_general3A_60 {dimension_numbers = #tpu.dot_dimension_numbers<[1], [0], [0], [1], [0, 0, 1, 1], [], []>, transpose_lhs_hint = false} : vector<100x41xf32>, vector<41x128xf32>, vector<100x128xf32> -> vector<100x128xf32>
    %swap3A_62 = arith.constant 0 : index
    %swap3A_63 = arith.constant 0 : index
    %swap3A_64 = vector.load %arg11[%swap3A_62, %swap3A_63] : memref<100x128xf32, #tpu.memory_space<vmem>>, vector<100x128xf32>
    tpu.vector_store %arg11[%swap3A_62, %swap3A_63], %dot_general3A_61 {strides = array<i32>} : memref<100x128xf32, #tpu.memory_space<vmem>>, vector<100x128xf32>,
    %get3A_65 = arith.constant 0 : index
    %get3A_66 = arith.constant 0 : index
    %get3A_67 = vector.load %arg8[%get3A_65, %get3A_66] : memref<2x128xf32, #tpu.memory_space<vmem>>, vector<1x128xf32>
    %get3A_68 = arith.constant 1 : index
    %get3A_69 = arith.constant 0 : index
    %get3A_70 = vector.load %arg8[%get3A_68, %get3A_69] : memref<2x128xf32, #tpu.memory_space<vmem>>, vector<1x128xf32>
    %sub3A = arith.subf %get3A_67, %get3A_70 : vector<1x128xf32>
    %get3A_71 = arith.constant 0 : index
    %get3A_72 = arith.constant 0 : index
    %get3A_73 = vector.load %arg9[%get3A_71, %get3A_72] : memref<1x2xf32, #tpu.memory_space<vmem>>, vector<1x1xf32>
    %get3A_74 = vector.extract %get3A_73[0, 0] : f32 from vector<1x1xf32>
    %get3A_75 = arith.constant 0 : index
    %get3A_76 = arith.constant 1 : index
    %get3A_77 = vector.load %arg9[%get3A_75, %get3A_76] : memref<1x2xf32, #tpu.memory_space<vmem>>, vector<1x1xf32>
    %get3A_78 = vector.extract %get3A_77[0, 0] : f32 from vector<1x1xf32>
    %sub3A_79 = arith.subf %get3A_74, %get3A_78 : f32
    %broadcast_in_dim3A_80 = vector.broadcast %sub3A_79 : f32 to vector<1x16xf32>
    %concatenate3A = tpu.concatenate %sub3A, %broadcast_in_dim3A_80 in 1 : vector<1x128xf32>, vector<1x16xf32> -> vector<1x144xf32>
    %swap3A_81 = arith.constant 0 : index
    %swap3A_82 = arith.constant 0 : index
    %swap3A_83 = vector.load %arg12[%swap3A_81, %swap3A_82] : memref<1x144xf32, #tpu.memory_space<vmem>>, vector<1x144xf32>
    tpu.vector_store %arg12[%swap3A_81, %swap3A_82], %concatenate3A {strides = array<i32>} : memref<1x144xf32, #tpu.memory_space<vmem>>, vector<1x144xf32>,
    return
  }
}

</mosaic_0001>

<sc_bundles>
// kernel: kernel.4.cloned.1.call-start
scs
__scs_entry_jumppad:
0x0: {  	(pc) =	sbr.rel $0x88, $3  }
0x1: {  	(tag) =	ssettag $0x0;
	lr =	simm.s32 $0x1  }
0x2: {  	[smem:$0x3F96] =	sst lr;
	_ =	strace $0xD0000000  }
0x3: {  	_ = 	snop  }
0x4: {  	_ = 	snop  }
0x5: {  	_ = 	snop  }
0x6: {  	_ = 	snop  }
0x7: {  	_ = 	snop  }
__scs_overlays_trampoline_lowered:
0x8: {  	[smem:$0x3FA5] =	sst s0  }
0x9: {  	[smem:$0x3FA6] =	sst s1  }
0xa: {  	[smem:$0x3FA7] =	sst s2  }
0xb: {  	[smem:$0x3FA8] =	sst s3  }
0xc: {  	[smem:$0x3FA9] =	sst s4  }
0xd: {  	[smem:$0x3FAA] =	sst s5  }
0xe: {  	[smem:$0x3FAB] =	sst s6  }
0xf: {  	[smem:$0x3FAC] =	sst s7  }
0x10: {  	[smem:$0x3FAD] =	sst s8  }
0x11: {  	[smem:$0x3FAE] =	sst s9;
	s0 =	simm.s32 @!p0 $0x0  }
0x12: {  	s1 =	sld [smem:$0x3F94];
	s0 =	simm.s32 @p0 $0x1  }
0x13: {  	[smem:$0x3FAF] =	sst s0;
	s0 =	simm.s32 @!p1 $0x0  }
0x14: {  	s2 =	sld [smem:$0x3F93];
	s0 =	simm.s32 @p1 $0x1  }
0x15: {  	[smem:$0x3FB0] =	sst s0;
	s0 =	simm.s32 @!p2 $0x0  }
0x16: {  	s3 =	sld [smem:$0x3FDB];
	s0 =	simm.s32 @p2 $0x1  }
0x17: {  	s4 =	simm.s32 $0x1BF5;
	[smem:$0x3FB2] =	sst s0  }
0x18: {  	s0 =	sld [smem:$0x3F95];
	_ =	swait.ge [sflag:s4], $0x0  }
0x19: {  	s7 =	sld [smem:$0x3F96]  }
0x1a: {  	s8 =	sadd.s32 $0xFFFFE003, lr  }
0x1b: {  	s9 =	sadd.s32 $0xFFFFFEF7, lr;
	s5 =	simm.s32 $0xFFFFFFFF;
	p2 =	slt.u32 s8, $0xFFFFF086  }
0x1c: {  	p1 =	slt.u32 s9, $0xF7A;
	s5 =	simm.s32 @!p2 $0x0  }
0x1d: {  	s5 =	simm.s32 @p1 $0x1;
	p0 =	seq.s32 s7, s2  }
0x1e: {  	s7 =	smul.u32 @!p0 $0xF7A, s2;
	p2 =	seq.s32 @!p0 s5, $0x0  }
0x1f: {  	s9 =	smul.u32 $0xF7A, s1;
	s8 =	simm.s32 @!p0 $0x1BF5;
	p2 =	por !p2, p0  }
0x20: {  	[sflag:s8] =	ssyncset.s32 @!p0 $0xFFFFF086;
	s6 =	sadd.s32 @!p0 s3, s7;
	s7 =	simm.s32 @!p0 $0x108  }
0x21: {  	s3 =	sadd.s32 s3, s9;
	s6 =	sadd.s32 @!p0 $0x88, s6;
	s7 =	simm.s32 @p2 $0x1082  }
0x22: {  	[simem:s7], [sflag:s8] =	dma.local @!p0 [hbm:s6], $0xF7A  }
0x23: {  	s9 =	sor.u32 $0xD0000000, s2;
	s6 =	simm.s32 $0x108;
	_ =	swait.ge @!p0 [sflag:s8], $0x0  }
0x24: {  	s3 =	sadd.s32 $0x88, s3;
	s6 =	simm.s32 @!p1 $0x1082;
	[sflag:s4] =	ssyncset.s32 $0xFFFFF086  }
0x25: {  	[simem:s6], [sflag:s4] =	dma.local [hbm:s3], $0xF7A  }
0x26: {  	[smem:$0x3F96] =	sst s1;
	(tag) =	ssettag s2;
	_ =	strace s9  }
0x27: {  	s1 =	sld [smem:$0x3FA6]  }
0x28: {  	s2 =	sld [smem:$0x3FA7]  }
0x29: {  	s4 =	sld [smem:$0x3FA9]  }
0x2a: {  	p0 =	seq.s32 s5, $0x0;
	s5 =	sld [smem:$0x3FAA]  }
0x2b: {  	s6 =	sld [smem:$0x3FAB]  }
0x2c: {  	s7 =	sld [smem:$0x3FAC]  }
0x2d: {  	s3 =	simm.s32 $0x108;
	s8 =	sld [smem:$0x3FAD]  }
0x2e: {  	s3 =	simm.s32 @!p0 $0x1082;
	s9 =	sld [smem:$0x3FAE]  }
0x2f: {  	lr =	sadd.s32 s0, s3;
	s0 =	sld [smem:$0x3FA5]  }
0x30: {  	s3 =	sld [smem:$0x3FA8]  }
0x31: {  	[smem:$0x3FB1] =	sst s10  }
0x32: {  	s10 =	sld [smem:$0x3FAF];
	_ =	sdelay $0x3  }
0x33: {  	p0 =	seq.s32 s10, $0x1;
	s10 =	sld [smem:$0x3FB1];
	_ =	sdelay $0x3  }
0x34: {  	[smem:$0x3FB1] =	sst s10  }
0x35: {  	s10 =	sld [smem:$0x3FB0];
	_ =	sdelay $0x3  }
0x36: {  	p1 =	seq.s32 s10, $0x1;
	s10 =	sld [smem:$0x3FB1];
	_ =	sdelay $0x3  }
0x37: {  	[smem:$0x3FB1] =	sst s10  }
0x38: {  	s10 =	sld [smem:$0x3FB2]  }
0x39: {  	_ = 	snop;
	(pc) =	sbr.ind lr, $3  }
0x3a: {  	_ = 	snop  }
0x3b: {  	_ = 	snop  }
0x3c: {  	p2 =	seq.s32 s10, $0x1;
	s10 =	sld [smem:$0x3FB1]  }
0x3d: {  	_ =	shalt  }
0x3e: {  	_ =	shalt  }
0x3f: {  	_ =	shalt  }
0x40: {  	_ =	shalt  }
0x41: {  	_ =	shalt  }
0x42: {  	_ =	shalt  }
0x43: {  	_ =	shalt  }
0x44: {  	_ =	shalt  }
0x45: {  	_ =	shalt  }
0x46: {  	_ =	shalt  }
0x47: {  	_ =	shalt  }
0x48: {  	_ =	shalt  }
0x49: {  	_ =	shalt  }
0x4a: {  	_ =	shalt  }
0x4b: {  	_ =	shalt  }
0x4c: {  	_ =	shalt  }
0x4d: {  	_ =	shalt  }
0x4e: {  	_ =	shalt  }
0x4f: {  	_ =	shalt  }
0x50: {  	_ =	shalt  }
0x51: {  	_ =	shalt  }
0x52: {  	_ =	shalt  }
0x53: {  	_ =	shalt  }
0x54: {  	_ =	shalt  }
0x55: {  	_ =	shalt  }
0x56: {  	_ =	shalt  }
0x57: {  	_ =	shalt  }
0x58: {  	_ =	shalt  }
0x59: {  	_ =	shalt  }
0x5a: {  	_ =	shalt  }
0x5b: {  	_ =	shalt  }
0x5c: {  	_ =	shalt  }
0x5d: {  	_ =	shalt  }
0x5e: {  	_ =	shalt  }
0x5f: {  	_ =	shalt  }
0x60: {  	_ =	shalt  }
0x61: {  	_ =	shalt  }
0x62: {  	_ =	shalt  }
0x63: {  	_ =	shalt  }
0x64: {  	_ =	shalt  }
0x65: {  	_ =	shalt  }
0x66: {  	_ =	shalt  }
0x67: {  	_ =	shalt  }
0x68: {  	_ =	shalt  }
0x69: {  	_ =	shalt  }
0x6a: {  	_ =	shalt  }
0x6b: {  	_ =	shalt  }
0x6c: {  	_ =	shalt  }
0x6d: {  	_ =	shalt  }
0x6e: {  	_ =	shalt  }
0x6f: {  	_ =	shalt  }
0x70: {  	_ =	shalt  }
0x71: {  	_ =	shalt  }
0x72: {  	_ =	shalt  }
0x73: {  	_ =	shalt  }
0x74: {  	_ =	shalt  }
0x75: {  	_ =	shalt  }
0x76: {  	_ =	shalt  }
0x77: {  	_ =	shalt  }
0x78: {  	_ =	shalt  }
0x79: {  	_ =	shalt  }
0x7a: {  	_ =	shalt  }
0x7b: {  	_ =	shalt  }
0x7c: {  	_ =	shalt  }
0x7d: {  	_ =	shalt  }
0x7e: {  	_ =	shalt  }
0x7f: {  	_ =	shalt  }
0x80: {  	_ =	shalt  }
0x81: {  	_ =	shalt  }
0x82: {  	_ =	shalt  }
0x83: {  	_ =	shalt  }
0x84: {  	_ =	shalt  }
0x85: {  	_ =	shalt  }
0x86: {  	_ =	shalt  }
0x87: {  	_ =	shalt  }
.Lfunc_end0:
.L_simem_size_0:
called_computation_lowered:
.L_overlay_start_0:
0x88: {  	s2 =	sld [smem:$0x3FD9]  }
0x89: {  	s3 =	sld [smem:$0x3FFE];
	_ =	sdelay $0x1  }
0x8a: {  	s1 =	srdreg.scid  }
0x8b: {  	s0 =	sand.u32 $0x1, s1  }
0x8c: {  	s14 =	sshll.u32 s0, $0xA;
	s2 =	sadd.s32 s3, s2  }
0x8d: {  	s2 =	sadd.s32 s2, s14  }
0x8e: {  	[smem:$0x3FBD] =	sst s2  }
0x8f: {  	_ = 	snop  }
0x90: {  	s2 =	sld [smem:$0x3FD0];
	_ =	sdelay $0x2  }
0x91: {  	s15 =	simm.s32 $0xA;
	s4 =	simm.s32 $0x10  }
0x92: {  	[smem:s4], [sflag:s15] =	dma.local [hbm:s2], $0x1  }
0x93: {  	_ =	swait.eq [sflag:s15], $0x1  }
0x94: {  	[sflag:s15] =	ssyncset.done $0x0  }
0x95: {  	s16 =	sld [smem:$0x10];
	[sflag:s15] =	ssyncadd.s32 $0xFFFFFFFF  }
0x96: {  	s17 =	sld [smem:$0x11];
	(tm) =	ssettm $0x1  }
0x97: {  	s18 =	sld [smem:$0x3FFB];
	_ =	sdelay $0x3  }
0x98: {  	_ =	strace s18  }
0x99: {  	s4 =	sld [smem:$0x3FFC];
	_ =	sdelay $0x3  }
0x9a: {  	_ =	strace s4  }
0x9b: {  	s4 =	sld [smem:$0x3FFD];
	_ =	sdelay $0x3  }
0x9c: {  	_ =	strace s4  }
0x9d: {  	_ =	strace $0x8FFFFFFF  }
0x9e: {  	s19 =	sld [smem:$0x3FDB];
	_ =	sdelay $0x1  }
0x9f: {  	s5 =	simm.s32 $_scs_section_size  }
0xa0: {  	s6 =	simm.s32 $_size__tile_overlayer_lowered;
	s7 =	simm.s32 $_tile_overlayer_lowered  }
0xa1: {  	s22 =	simm.s32 $0x1BFF;
	s21 =	sshll.u32 s7, $0x1;
	s4 =	sadd.s32 s5, s19  }
0xa2: {  	s8 =	simm.s32 $0x0;
	s20 =	sshll.u32 s6, $0x1;
	s6 =	sadd.s32 s21, s4  }
0xa3: {  	[timem:s8], [sflag:s22] =	dma.local [hbm:s6], s20  }
0xa4: {  	_ =	swait.ge [sflag:s22], s20  }
0xa5: {  	s5 =	ssub.s32 $0x0, s20;
	[sflag:s22] =	ssyncset.done $0x0  }
0xa6: {  	[sflag:s22] =	ssyncadd.s32 s5;
	_ =	sdelay $0x1  }
0xa7: {  	s23 =	simm.s32 $0x1B8B  }
0xa8: {  	_ =	swait.ge [sflag:s23], $0x1  }
0xa9: {  	[sflag:s23] =	ssyncset.done $0x0  }
0xaa: {  	s25 =	simm.s32 $0x1B8E;
	s24 =	sld [smem:$0x3FFE];
	[sflag:s23] =	ssyncadd.s32 $0xFFFFFFFF  }
0xab: {  	s26 =	simm.s32 $execute0_lowered;
	[smem:$0x3FD2] =	sst s25  }
0xac: {  	s6 =	sshll.u32 s26, $0x1;
	_ =	strace $0x80000046;
	[dreg:$0x1] =	wrdreg $0xFFFFFFFF  }
0xad: {  	s28 =	simm.s32 $_size_execute0_lowered;
	s4 =	sadd.s32 s4, s6;
	[dreg:$0x0] =	wrdreg $0x0  }
0xae: {  	s6 =	sshll.u32 s28, $0x1;
	[dreg:$0x2] =	wrdreg s4  }
0xaf: {  	[dreg:$0x3] =	wrdreg s6  }
0xb0: {  	[dreg:$0x4] =	wrdreg $0xC0  }
0xb1: {  	_ =	task [dreg:s8], $0x5FFFF  }
0xb2: {  	[dreg:$0x1] =	wrdreg $0xFFFFFFFF  }
0xb3: {  	[dreg:$0x0] =	wrdreg $0x60  }
0xb4: {  	[dreg:$0x2] =	wrdreg s24  }
0xb5: {  	[dreg:$0x3] =	wrdreg s17  }
0xb6: {  	[dreg:$0x4] =	wrdreg s16  }
0xb7: {  	[dreg:$0x5] =	wrdreg $0x0  }
0xb8: {  	[dreg:$0x6] =	wrdreg $0x3200  }
0xb9: {  	[dreg:$0x7] =	wrdreg $0x9  }
0xba: {  	_ =	task.clear_ibuf [dreg:s8], $0x8FFFF;
	_ =	strace $0x90000046  }
0xbb: {  	s29 =	simm.s32 $0x9;
	_ =	strace $0x80000048  }
0xbc: {  	_ =	swait.ge [sflag:s29], $0x1  }
0xbd: {  	[sflag:s29] =	ssyncadd.s32 $0xFFFFFFFF  }
0xbe: {  	_ =	strace $0x90000048  }
0xbf: {  	_ =	sfence  }
0xc0: {  	s30 =	sld [smem:$0x0];
	_ =	sdelay $0x2  }
0xc1: {  	s31 =	sshll.u32 s1, $0xD;
	s1 =	sshrl.u32 s1, $0x2  }
0xc2: {  	s3 =	sand.u32 $0x4000, s31;
	s1 =	sadd.s32 s1, s30  }
0xc3: {  	s0 =	sor.u32 s3, s0;
	s1 =	sshll.u32 s1, $0x11  }
0xc4: {  	s0 =	sor.u32 s1, s0  }
0xc5: {  	s0 =	sadd.s32 $0x8F2B, s0  }
0xc6: {  	[sflag:s0] =	ssyncadd.remote.s32 $0x1  }
0xc7: {  	_ =	sfence.sel $0xFFFF  }
0xc8: {  	[dreg:$0x0] =	wrdreg $0xFFFFFFFF;
	(pc) =	sbr.abs _section_cstart, $3  }
0xc9: {  	[dreg:$0x1] =	wrdreg $0xFFFFFFFF  }
0xca: {  	_ =	task.clear_ibuf [dreg:s8], $0x2FFFF;
	_ =	strace $0x9FFFFFFF  }
0xcb: {  	(tm) =	ssettm $0x7FFFFFFF  }
tec
execute0_lowered:
.L_overlay_start_1:
0x0: {  	(tag) =	ssettag $0x1  }
0x1: {  	vm3 =	vcmask $0x300;
	v0 =	vimm.s32 $0x1307;
	vm5 =	vcmask $0x704  }
0x2: {  	vm0 =	vcmask $0xF08;
	vm4 =	vcmask $0x1310;
	vm2 =	vcmask $0x1714  }
0x3: {  	vm1 =	vcmask $0x1B18;
	vm10 =	vcmask $0x1F1C;
	v1 =	vimm.s32 $0x134F  }
0x4: {  	v2 =	vimm.s32 $0x1297;
	v3 =	vimm.s32 $0x10DF;
	v4 =	vimm.s32 $0xE27  }
0x5: {  	v5 =	vimm.s32 $0xA6F;
	v6 =	vimm.s32 $0x5B7;
	vm6 =	vcmask $0xB08  }
0x6: {  	vm11 =	vcmask $0x2320;
	vm12 =	vcmask $0xF0C;
	vm13 =	vcmask $0x2724  }
0x7: {  	vm14 =	vcmask $0x2B28;
	vm15 =	vcmask $0x2F2C;
	vm7 =	vcmask $0x3734  }
0x8: {  	vm8 =	vcmask $0x3B38;
	v0 =	vsel vm3, $0x1352, v0;
	v1 =	vsel vm3, $0x12AA, v1  }
0x9: {  	v2 =	vsel vm3, $0x1102, v2;
	v3 =	vsel vm3, $0xE5A, v3;
	v4 =	vsel vm3, $0xAB2, v4  }
0xa: {  	v5 =	vsel vm3, $0x60A, v5;
	v6 =	vsel vm3, $0x62, v6;
	v0 =	vsel vm5, $0x1354, v0  }
0xb: {  	v1 =	vsel vm5, $0x12BC, v1;
	v2 =	vsel vm5, $0x1124, v2;
	v3 =	vsel vm5, $0xE8C, v3  }
0xc: {  	v4 =	vsel vm5, $0xAF4, v4;
	v5 =	vsel vm5, $0x65C, v5;
	v6 =	vsel vm5, $0xC4, v6  }
0xd: {  	v0 =	vsel vm0, $0x1355, v0;
	v1 =	vsel vm6, $0x12CD, v1;
	v2 =	vsel vm6, $0x1145, v2  }
0xe: {  	v3 =	vsel vm6, $0xEBD, v3;
	v4 =	vsel vm6, $0xB35, v4;
	v5 =	vsel vm6, $0x6AD, v5  }
0xf: {  	s0 =	srdreg.scid;
	s20 =	stileid.u32;
	v6 =	vsel vm6, $0x125, v6;
	vm6 =	vcmask $0x3330;
	v0 =	vsel vm4, $0x1354, v0  }
0x10: {  	s7 =	sand.u32 $0x1, s0;
	s1 =	sshll.u32 s20, $0x1;
	v1 =	vsel vm12, $0x12DD, v1;
	v2 =	vsel vm12, $0x1165, v2;
	v3 =	vsel vm12, $0xEED, v3  }
0x11: {  	s1 =	sor.u32 s7, s1;
	v4 =	vsel vm12, $0xB75, v4;
	v5 =	vsel vm12, $0x6FD, v5;
	v6 =	vsel vm12, $0x185, v6  }
0x12: {  	s10 =	smul.u32 $0xA0, s1;
	v0 =	vsel vm2, $0x1352, v0;
	v1 =	vsel vm4, $0x12EC, v1;
	v2 =	vsel vm4, $0x1184, v2  }
0x13: {  	v3 =	vsel vm4, $0xF1C, v3;
	v4 =	vsel vm4, $0xBB4, v4;
	v5 =	vsel vm4, $0x74C, v5  }
0x14: {  	v6 =	vsel vm4, $0x1E4, v6;
	v7 =	vmov s10;
	v0 =	vsel vm1, $0x134F, v0  }
0x15: {  	v1 =	vsel vm2, $0x12FA, v1;
	v2 =	vsel vm2, $0x11A2, v2;
	v3 =	vsel vm2, $0xF4A, v3  }
0x16: {  	v4 =	vsel vm2, $0xBF2, v4;
	v5 =	vsel vm2, $0x79A, v5;
	v6 =	vsel vm2, $0x242, v6  }
0x17: {  	v0 =	vsel vm10, $0x134B, v0;
	v1 =	vsel vm1, $0x1307, v1;
	v2 =	vsel vm1, $0x11BF, v2  }
0x18: {  	v3 =	vsel vm1, $0xF77, v3;
	v4 =	vsel vm1, $0xC2F, v4;
	v5 =	vsel vm1, $0x7E7, v5  }
0x19: {  	v6 =	vsel vm1, $0x29F, v6;
	v0 =	vsel vm11, $0x1346, v0;
	v1 =	vsel vm10, $0x1313, v1  }
0x1a: {  	v2 =	vsel vm10, $0x11DB, v2;
	v3 =	vsel vm10, $0xFA3, v3;
	v4 =	vsel vm10, $0xC6B, v4  }
0x1b: {  	v5 =	vsel vm10, $0x833, v5;
	v6 =	vsel vm10, $0x2FB, v6;
	v0 =	vsel vm13, $0x1340, v0  }
0x1c: {  	v1 =	vsel vm11, $0x131E, v1;
	v2 =	vsel vm11, $0x11F6, v2;
	v3 =	vsel vm11, $0xFCE, v3  }
0x1d: {  	v4 =	vsel vm11, $0xCA6, v4;
	v5 =	vsel vm11, $0x87E, v5;
	v6 =	vsel vm11, $0x356, v6  }
0x1e: {  	v0 =	vsel vm14, $0x1339, v0;
	v1 =	vsel vm13, $0x1328, v1;
	v2 =	vsel vm13, $0x1210, v2  }
0x1f: {  	v3 =	vsel vm13, $0xFF8, v3;
	v4 =	vsel vm13, $0xCE0, v4;
	v5 =	vsel vm13, $0x8C8, v5  }
0x20: {  	v6 =	vsel vm13, $0x3B0, v6;
	v0 =	vsel vm15, $0x1331, v0;
	v1 =	vsel vm14, $0x1331, v1  }
0x21: {  	v2 =	vsel vm14, $0x1229, v2;
	v3 =	vsel vm14, $0x1021, v3;
	v4 =	vsel vm14, $0xD19, v4  }
0x22: {  	v5 =	vsel vm14, $0x911, v5;
	v6 =	vsel vm14, $0x409, v6;
	v0 =	vsel vm6, $0x1328, v0  }
0x23: {  	v1 =	vsel vm15, $0x1339, v1;
	v2 =	vsel vm15, $0x1241, v2;
	v3 =	vsel vm15, $0x1049, v3  }
0x24: {  	s6 =	rddreg [dreg:$0x0];
	v4 =	vsel vm15, $0xD51, v4;
	v5 =	vsel vm15, $0x959, v5;
	v6 =	vsel vm15, $0x461, v6  }
0x25: {  	s8 =	rddreg [dreg:$0x1];
	v0 =	vsel vm7, $0x131E, v0;
	v1 =	vsel vm6, $0x1340, v1;
	v2 =	vsel vm6, $0x1258, v2  }
0x26: {  	s9 =	rddreg [dreg:$0x2];
	v3 =	vsel vm6, $0x1070, v3;
	v4 =	vsel vm6, $0xD88, v4;
	v5 =	vsel vm6, $0x9A0, v5  }
0x27: {  	s2 =	rddreg [dreg:$0x4];
	s3 =	simm.s32 $0x0;
	s13 =	simm.s32 $0x1;
	v6 =	vsel vm6, $0x4B8, v6;
	v8 =	vsel vm8, $0x1313, v0;
	v0 =	vsel vm7, $0x1346, v1  }
0x28: {  	s14 =	simm.s32 $0x7040;
	s15 =	simm.s32 $0x640;
	s16 =	simm.s32 $0x3A40;
	v1 =	vsel vm7, $0x1096, v3;
	v3 =	vsel vm7, $0x9E6, v5;
	v9 =	vsel vm8, $0x134B, v0  }
0x29: {  	s17 =	simm.s32 $0x7140;
	s18 =	simm.s32 $0x6E40;
	s0 =	rddreg [dreg:$0x3];
	v0 =	vsel vm7, $0x126E, v2;
	v2 =	vsel vm8, $0x10BB, v1;
	v1 =	vsel vm7, $0xDBE, v4  }
0x2a: {  	s19 =	simm.s32 $0x6F40;
	s21 =	simm.s32 $0x0;
	[smem:$0x7FF] =	sst s3;
	v3 =	vsel vm8, $0xA2B, v3;
	vm13 =	vgt.u32 v7, v8;
	v10 =	vsel vm8, $0x1283, v0  }
0x2b: {  	s4 =	sadd.s32 $0x2400, s6;
	s5 =	sadd.s32 $0x2C00, s6;
	s6 =	sadd.s32 $0x3400, s6;
	v0 =	vsel vm7, $0x50E, v6;
	v1 =	vsel vm8, $0xDF3, v1;
	vm11 =	vgt.u32 v7, v3  }
0x2c: {  	p0 =	seq.s32 s20, $0x1;
	p1 =	sne.s32 s20, $0x0;
	s7 =	ssub.s32 $0x2, s7;
	vm12 =	vgt.u32 v7, v2;
	vm15 =	vgt.u32 v7, v9;
	v6 =	vmpcnt.ones.xlane vm13  }
0x2d: {  	s20 =	simm.s32 $0x1C01;
	s1 =	rddreg [dreg:$0x5];
	s11 =	sshrl.u32 s7, $0x1;
	v0 =	vsel vm8, $0x563, v0;
	vm10 =	vgt.u32 v7, v1;
	v1 =	vmpcnt.ones.xlane vm11  }
0x2e: {  	_ =	strace $0x80000047;
	s11 =	ssub.s32 s7, s11;
	s12 =	sshrl.u32 s10, $0x3;
	v3 =	vmpcnt.ones.xlane vm12;
	vm14 =	vgt.u32 v7, v10;
	v5 =	vmpcnt.ones.xlane vm15  }
0x2f: {  	s7 =	sor.u32 $0x1, s10;
	s10 =	smax.u32 s11, $0x1;
	s11 =	sshrl.u32 s2, $0x3;
	vm9 =	vgt.u32 v7, v0;
	v2 =	vmpcnt.ones.xlane vm10;
	v7 =	vlaneseq.u32  }
0x30: {  	s8 =	sadd.s32 s8, s12;
	s9 =	sadd.s32 s9, s12;
	s12 =	simm.s32 $0x1C41;
	v4 =	vmpcnt.ones.xlane vm14;
	v0 =	vmpcnt.ones.xlane vm9;
	v7 =	vmul.u32 $0x11, v7  }
.LBB2_1:
.Ltmp0:
0x31: {  	(pc) =	sbr.rel @p0 .LBB2_4-.Ltmp0, $1  }
0x32: {  	_ =	sdelay $0x3  }
.Ltmp1:
0x33: {  	(pc) =	sbr.rel @p1 .LBB2_6-.Ltmp1, $1  }
0x34: {  	_ =	sdelay $0x3  }
.Ltmp2:
0x35: {  	(pc) =	sbr.rel .LBB2_5-.Ltmp2, $3  }
0x36: {  	_ =	sdelay $0x1  }
0x37: {  	s22 =	sshrl.u32 s0, $0x3  }
0x38: {  	[spmem:s22], [sflag:s20] =	dma.local [hbm:s4], $0x640  }
.LBB2_4:
0x39: {  	[spmem:s11], [sflag:s12] =	dma.local [hbm:s5], $0x640  }
.LBB2_5:
0x3a: {  	_ =	swait.ge [sflag:s13], $0x640  }
0x3b: {  	[sflag:s13] =	ssyncset.done $0x0  }
0x3c: {  	[sflag:s13] =	ssyncadd.s32 $0xFFFFF9C0  }
.LBB2_6:
0x3d: {  	s22 =	simm.s32 $0x0  }
0x3e: {  	[tilespmem:s14], [sflag:$0x1] =	stream.linear.gather [hbm4b:s6+s22], $0x100, $0x38;
	[tilespmem:$0x72C0] =	vst v63  }
0x3f: {  	_ =	swait.ge [sflag:s13], $0x100  }
0x40: {  	(v2sf) =	vpush v0, $0x0  }
0x41: {  	(v2sf) =	vpush v1, $0x0  }
0x42: {  	(v2sf) =	vpush v2, $0x0  }
0x43: {  	(v2sf) =	vpush v3, $0x0  }
0x44: {  	(v2sf) =	vpush v4, $0x0  }
0x45: {  	(v2sf) =	vpush v5, $0x0  }
0x46: {  	(v2sf) =	vpush v6, $0x0;
	_ =	sdelay $0x8  }
0x47: {  	s23 =	spop (v2sf)  }
0x48: {  	s24 =	spop (v2sf)  }
0x49: {  	s25 =	spop (v2sf)  }
0x4a: {  	s26 =	spop (v2sf)  }
0x4b: {  	s28 =	spop (v2sf)  }
0x4c: {  	[sflag:s13] =	ssyncset.done $0x0;
	s29 =	spop (v2sf)  }
0x4d: {  	[sflag:s13] =	ssyncadd.s32 $0xFFFFFF00;
	s30 =	spop (v2sf)  }
0x4e: {  	[bflag:$0x0] =	sbarrier.arrive $0xFFFF  }
0x4f: {  	[tilespmem:s15], [sflag:$0x1] =	stream.linear.gather [spmem:s0], $0x3200, $0x38;
	[tilespmem:$0x72C0] =	vst v63  }
0x50: {  	s23 =	sadd.s32 s23, s24;
	_ =	swait.ge [sflag:s13], $0x3200  }
0x51: {  	s23 =	sadd.s32 s25, s23;
	[sflag:s13] =	ssyncset.done $0x0  }
0x52: {  	s23 =	sadd.s32 s26, s23;
	[sflag:s13] =	ssyncadd.s32 $0xFFFFCE00  }
0x53: {  	[tilespmem:s16], [sflag:$0x1] =	stream.linear.gather [spmem:s2], $0x3200, $0x38;
	[tilespmem:$0x72C0] =	vst v63  }
0x54: {  	s23 =	sadd.s32 s28, s23;
	_ =	swait.ge [sflag:s13], $0x3200  }
0x55: {  	s23 =	sadd.s32 s29, s23;
	[sflag:s13] =	ssyncset.done $0x0  }
0x56: {  	s24 =	sadd.s32 s30, s23;
	[sflag:s13] =	ssyncadd.s32 $0xFFFFCE00  }
0x57: {  	s23 =	ssub.s32 $0xC7, s24;
	v8 =	vld [tilespmem:$0x7040]  }
0x58: {  	s23 =	smul.u32 s24, s23;
	v9 =	vld [tilespmem:$0x7050]  }
0x59: {  	v10 =	vld [tilespmem:$0x7060]  }
0x5a: {  	s29 =	sand.u32 $0x1, s23;
	v11 =	vld [tilespmem:$0x7070]  }
0x5b: {  	s28 =	sshrl.u32 s23, $0x1F;
	p2 =	slt.s32 s23, $0x1;
	p3 =	seq.s32 s29, $0x1;
	v12 =	vld [tilespmem:$0x7080]  }
0x5c: {  	s31 =	sadd.s32 s24, s7;
	s25 =	sadd.s32 s28, s23;
	p2 =	por !p2, !p3;
	v13 =	vld [tilespmem:$0x7090]  }
0x5d: {  	s30 =	sshra.s32 s25, $0x1;
	s25 =	simm.s32 $0x1;
	p2 =	por !p2, !p2;
	v14 =	vld [tilespmem:$0x70A0]  }
0x5e: {  	s23 =	ssub.s32 s31, s30;
	s25 =	simm.s32 @!p2 $0x0;
	v15 =	vld [tilespmem:$0x70B0]  }
0x5f: {  	s25 =	sadd.s32 s25, s23;
	v16 =	vld [tilespmem:$0x70C0];
	s23 =	simm.s32 $0x0  }
.LBB2_7:
0x60: {  	p2 =	slt.s32 s24, $0x63;
	s26 =	smov.u32 s24  }
0x61: {  	p3 =	slt.s32 s25, $0x63;
	s28 =	smov.u32 s25;
	s26 =	simm.s32 @!p2 $0x63  }
0x62: {  	s28 =	simm.s32 @!p3 $0x63;
	s26 =	sshll.u32 s26, $0x9  }
0x63: {  	s28 =	sshll.u32 s28, $0x9;
	s26 =	sshra.s32 s26, $0x2  }
0x64: {  	s28 =	sshra.s32 s28, $0x2;
	v17 =	vld [tilespmem:s26+$0x640]  }
0x65: {  	v18 =	vld [tilespmem:s28+$0x3A40]  }
0x66: {  	v19 =	vld [tilespmem:s28+$0x3A50]  }
0x67: {  	v20 =	vld [tilespmem:s26+$0x650]  }
0x68: {  	v21 =	vld [tilespmem:s28+$0x3A60]  }
0x69: {  	v22 =	vld [tilespmem:s26+$0x660]  }
0x6a: {  	v23 =	vld [tilespmem:s28+$0x3A70];
	v17 =	vadd.f32 v18, v17  }
0x6b: {  	v18 =	vld [tilespmem:s26+$0x670]  }
0x6c: {  	v24 =	vld [tilespmem:s26+$0x680];
	v19 =	vadd.f32 v19, v20;
	v17 =	vmax.f32 v17, $0.0e+00  }
0x6d: {  	v20 =	vld [tilespmem:s28+$0x3A80];
	v17 =	vmul.f32 v17, v8  }
0x6e: {  	v58 =	vld [tilespmem:s28+$0x3A90];
	v21 =	vadd.f32 v21, v22;
	v19 =	vmax.f32 v19, $0.0e+00  }
0x6f: {  	v25 =	vld [tilespmem:s26+$0x690];
	v19 =	vmul.f32 v19, v9;
	v17 =	vadd.f32 $0.0e+00, v17  }
0x70: {  	v59 =	vld [tilespmem:s28+$0x3AA0];
	v21 =	vmax.f32 v21, $0.0e+00;
	v18 =	vadd.f32 v23, v18  }
0x71: {  	v26 =	vld [tilespmem:s26+$0x6A0];
	v21 =	vmul.f32 v21, v10;
	v17 =	vadd.f32 v19, v17  }
0x72: {  	v60 =	vld [tilespmem:s26+$0x6B0];
	v18 =	vmax.f32 v18, $0.0e+00;
	v19 =	vadd.f32 v20, v24  }
0x73: {  	v20 =	vld [tilespmem:s28+$0x3AB0];
	v18 =	vmul.f32 v18, v11;
	v17 =	vadd.f32 v21, v17  }
0x74: {  	v61 =	vadd.f32 v58, v25;
	v19 =	vmax.f32 v19, $0.0e+00  }
0x75: {  	v19 =	vmul.f32 v19, v12;
	v17 =	vadd.f32 v18, v17  }
0x76: {  	p2 =	sgt.s32 s25, $0x62;
	v62 =	vadd.f32 v59, v26;
	s26 =	simm.s32 $0x1;
	v18 =	vmax.f32 v61, $0.0e+00  }
0x77: {  	s26 =	simm.s32 @!p2 $0x0;
	v18 =	vmul.f32 v18, v13;
	v17 =	vadd.f32 v19, v17  }
0x78: {  	s24 =	sadd.s32 s26, s24;
	v20 =	vadd.f32 v20, v60;
	v19 =	vmax.f32 v62, $0.0e+00  }
0x79: {  	s25 =	smov.u32 @p2 s24;
	v19 =	vmul.f32 v19, v14;
	v63 =	vadd.f32 v18, v17  }
0x7a: {  	s26 =	simm.s32 $0x1;
	s25 =	sadd.s32 $0x1, s25;
	v18 =	vmax.f32 v20, $0.0e+00;
	v17 =	vadd.s32 s22, v7  }
0x7b: {  	p4 =	slt.s32 s24, $0x63;
	p3 =	slt.s32 s25, $0x63;
	s28 =	simm.s32 $0x2;
	v18 =	vmul.f32 v18, v15;
	v19 =	vadd.f32 v19, v63  }
.LBB2_8:
0x7c: {  	p2 =	sne.s32 s28, $0xF;
	s30 =	smov.u32 s24;
	s31 =	smov.u32 s25  }
0x7d: {  	v18 =	vadd.f32 v18, v19;
	s29 =	smov.u32 s28;
	s30 =	simm.s32 @!p4 $0x63;
	s31 =	simm.s32 @!p3 $0x63  }
0x7e: {  	s28 =	sadd.s32 $0x1, s28;
	s30 =	sshll.u32 s30, $0x9;
	s31 =	sshll.u32 s31, $0x9  }
0x7f: {  	s30 =	sshra.s32 s30, $0x2;
	s31 =	sshra.s32 s31, $0x2;
	[tilespmem:v17+s17+$0x0] =	vst.idx.msk $0xffff, v18  }
0x80: {  	v17 =	vld [tilespmem:s31+$0x3A50]  }
0x81: {  	v18 =	vld [tilespmem:s30+$0x640]  }
0x82: {  	v19 =	vld [tilespmem:s31+$0x3A40]  }
0x83: {  	v20 =	vld [tilespmem:s30+$0x650]  }
0x84: {  	v21 =	vld [tilespmem:s31+$0x3A60]  }
0x85: {  	v22 =	vld [tilespmem:s30+$0x660]  }
0x86: {  	v23 =	vld [tilespmem:s31+$0x3A70]  }
0x87: {  	v18 =	vadd.f32 v19, v18;
	v19 =	vld [tilespmem:s30+$0x670]  }
0x88: {  	v17 =	vadd.f32 v17, v20;
	v20 =	vld [tilespmem:s31+$0x3A80]  }
0x89: {  	v18 =	vmax.f32 v18, $0.0e+00;
	v24 =	vld [tilespmem:s30+$0x680]  }
0x8a: {  	v18 =	vmul.f32 v18, v8;
	v17 =	vmax.f32 v17, $0.0e+00;
	v21 =	vadd.f32 v21, v22;
	v22 =	vld [tilespmem:s31+$0x3A90]  }
0x8b: {  	v17 =	vmul.f32 v17, v9;
	v25 =	vld [tilespmem:s30+$0x690]  }
0x8c: {  	v18 =	vadd.f32 $0.0e+00, v18;
	v21 =	vmax.f32 v21, $0.0e+00;
	v19 =	vadd.f32 v23, v19;
	v23 =	vld [tilespmem:s31+$0x3AA0]  }
0x8d: {  	v21 =	vmul.f32 v21, v10;
	v26 =	vld [tilespmem:s30+$0x6A0]  }
0x8e: {  	v17 =	vadd.f32 v17, v18;
	v18 =	vmax.f32 v19, $0.0e+00;
	v19 =	vadd.f32 v20, v24;
	v20 =	vld [tilespmem:s31+$0x3AB0]  }
0x8f: {  	v18 =	vmul.f32 v18, v11;
	v24 =	vld [tilespmem:s30+$0x6B0]  }
0x90: {  	v17 =	vadd.f32 v21, v17;
	v19 =	vmax.f32 v19, $0.0e+00;
	v21 =	vadd.f32 v22, v25  }
0x91: {  	v19 =	vmul.f32 v19, v12  }
0x92: {  	v17 =	vadd.f32 v18, v17;
	v18 =	vmax.f32 v21, $0.0e+00;
	v21 =	vadd.f32 v23, v26  }
0x93: {  	v18 =	vmul.f32 v18, v13  }
0x94: {  	p3 =	sgt.s32 s25, $0x62;
	s30 =	simm.s32 $0x1;
	v17 =	vadd.f32 v19, v17;
	v19 =	vmax.f32 v21, $0.0e+00;
	v20 =	vadd.f32 v20, v24  }
.Ltmp3:
0x95: {  	s30 =	simm.s32 @!p3 $0x0;
	v19 =	vmul.f32 v19, v14;
	(pc) =	sbr.rel @p2 .LBB2_8-.Ltmp3, $4  }
0x96: {  	s24 =	sadd.s32 s30, s24;
	v21 =	vadd.f32 v18, v17;
	v18 =	vmax.f32 v20, $0.0e+00;
	v17 =	vadd.s32 s26, v7;
	s26 =	smov.u32 s29  }
0x97: {  	s25 =	smov.u32 @p3 s24;
	v18 =	vmul.f32 v18, v15  }
0x98: {  	s25 =	sadd.s32 $0x1, s25;
	v19 =	vadd.f32 v19, v21  }
0x99: {  	p4 =	slt.s32 s24, $0x63;
	p3 =	slt.s32 s25, $0x63  }
0x9a: {  	_ = 	snop  }
0x9b: {  	s28 =	smov.u32 s24  }
0x9c: {  	s29 =	smov.u32 s25;
	v18 =	vadd.f32 v18, v19;
	s28 =	simm.s32 @!p4 $0x63  }
0x9d: {  	s29 =	simm.s32 @!p3 $0x63;
	s28 =	sshll.u32 s28, $0x9  }
0x9e: {  	s29 =	sshll.u32 s29, $0x9;
	[tilespmem:v17+s17+$0x0] =	vst.idx.msk $0xffff, v18;
	s28 =	sshra.s32 s28, $0x2  }
0x9f: {  	s29 =	sshra.s32 s29, $0x2;
	v17 =	vld [tilespmem:s28+$0x640]  }
0xa0: {  	v18 =	vld [tilespmem:s29+$0x3A40]  }
0xa1: {  	v19 =	vld [tilespmem:s29+$0x3A50]  }
0xa2: {  	v20 =	vld [tilespmem:s28+$0x650]  }
0xa3: {  	v21 =	vld [tilespmem:s29+$0x3A60]  }
0xa4: {  	v22 =	vld [tilespmem:s28+$0x660]  }
0xa5: {  	v23 =	vld [tilespmem:s29+$0x3A70];
	v17 =	vadd.f32 v18, v17  }
0xa6: {  	v18 =	vld [tilespmem:s28+$0x670]  }
0xa7: {  	v52 =	vld [tilespmem:s29+$0x3A80];
	v19 =	vadd.f32 v19, v20;
	v17 =	vmax.f32 v17, $0.0e+00  }
0xa8: {  	v24 =	vld [tilespmem:s28+$0x680];
	v17 =	vmul.f32 v17, v8  }
0xa9: {  	v53 =	vld [tilespmem:s29+$0x3A90];
	v21 =	vadd.f32 v21, v22;
	v19 =	vmax.f32 v19, $0.0e+00  }
0xaa: {  	v25 =	vld [tilespmem:s28+$0x690];
	v19 =	vmul.f32 v19, v9;
	v17 =	vadd.f32 $0.0e+00, v17  }
0xab: {  	v54 =	vld [tilespmem:s29+$0x3AA0];
	v21 =	vmax.f32 v21, $0.0e+00;
	v18 =	vadd.f32 v23, v18  }
0xac: {  	v26 =	vld [tilespmem:s28+$0x6A0];
	v21 =	vmul.f32 v21, v10;
	v17 =	vadd.f32 v19, v17  }
0xad: {  	v55 =	vld [tilespmem:s29+$0x3AB0];
	v18 =	vmax.f32 v18, $0.0e+00;
	v19 =	vadd.f32 v52, v24  }
0xae: {  	v56 =	vld [tilespmem:s28+$0x6B0];
	v18 =	vmul.f32 v18, v11;
	v17 =	vadd.f32 v21, v17  }
0xaf: {  	v57 =	vadd.f32 v53, v25;
	v19 =	vmax.f32 v19, $0.0e+00  }
0xb0: {  	v19 =	vmul.f32 v19, v12;
	v17 =	vadd.f32 v18, v17  }
0xb1: {  	v58 =	vadd.f32 v54, v26;
	v18 =	vmax.f32 v57, $0.0e+00  }
0xb2: {  	v18 =	vmul.f32 v18, v13;
	v17 =	vadd.f32 v19, v17  }
0xb3: {  	v20 =	vadd.f32 v55, v56;
	v19 =	vmax.f32 v58, $0.0e+00  }
0xb4: {  	v19 =	vmul.f32 v19, v14;
	v17 =	vadd.f32 v18, v17  }
0xb5: {  	v59 =	vadd.s32 s26, v7;
	v18 =	vmax.f32 v20, $0.0e+00  }
0xb6: {  	v18 =	vmul.f32 v18, v15;
	v17 =	vadd.f32 v19, v17;
	_ =	sdelay $0x1  }
0xb7: {  	v17 =	vadd.f32 v18, v17;
	_ =	sdelay $0x1  }
0xb8: {  	[tilespmem:v59+s17+$0x0] =	vst.idx.msk $0xffff, v17  }
0xb9: {  	v17 =	vld [tilespmem:$0x7140];
	_ =	sdelay $0x1  }
0xba: {  	v18 =	vld [tilespmem:$0x7151];
	_ =	sdelay $0x1  }
0xbb: {  	v19 =	vld [tilespmem:$0x7162]  }
0xbc: {  	v17 =	vadd.f32 v17, v16  }
0xbd: {  	v20 =	vld [tilespmem:$0x7173]  }
0xbe: {  	v17 =	vadd.f32 v18, v17  }
0xbf: {  	v18 =	vld [tilespmem:$0x7184]  }
0xc0: {  	v17 =	vadd.f32 v19, v17  }
0xc1: {  	v19 =	vld [tilespmem:$0x7195]  }
0xc2: {  	v17 =	vadd.f32 v20, v17  }
0xc3: {  	v60 =	vld [tilespmem:$0x71A6]  }
0xc4: {  	v17 =	vadd.f32 v18, v17  }
0xc5: {  	v18 =	vld [tilespmem:$0x71B7]  }
0xc6: {  	v17 =	vadd.f32 v19, v17  }
0xc7: {  	v19 =	vld [tilespmem:$0x71C8]  }
0xc8: {  	v17 =	vadd.f32 v60, v17  }
0xc9: {  	v61 =	vld [tilespmem:$0x71D9]  }
0xca: {  	v17 =	vadd.f32 v18, v17  }
0xcb: {  	v18 =	vld [tilespmem:$0x71EA]  }
0xcc: {  	v17 =	vadd.f32 v19, v17  }
0xcd: {  	v19 =	vld [tilespmem:$0x71FB]  }
0xce: {  	v17 =	vadd.f32 v61, v17  }
0xcf: {  	v62 =	vld [tilespmem:$0x720C]  }
0xd0: {  	v17 =	vadd.f32 v18, v17  }
0xd1: {  	v18 =	vld [tilespmem:$0x721D]  }
0xd2: {  	v17 =	vadd.f32 v19, v17  }
0xd3: {  	v19 =	vld [tilespmem:$0x722E]  }
0xd4: {  	v17 =	vadd.f32 v62, v17  }
0xd5: {  	v63 =	vld [tilespmem:$0x723F]  }
0xd6: {  	v17 =	vadd.f32 v18, v17;
	_ =	sdelay $0x1  }
0xd7: {  	v17 =	vadd.f32 v19, v17;
	_ =	sdelay $0x1  }
0xd8: {  	v17 =	vadd.f32 v63, v17;
	_ =	sdelay $0x1  }
0xd9: {  	v17 =	vsub.f32 $0.0e+00, v17;
	_ =	sdelay $0x1  }
0xda: {  	v17 =	vmul.f32 $1.442695020e+00, v17;
	_ =	sdelay $0x1  }
0xdb: {  	(erf) = vpow2.f32 v17;
	_ =	sdelay $0x8  }
0xdc: {  	v17 =	vpop (erf)  }
0xdd: {  	v17 =	vadd.f32 $1.000000000e+00, v17;
	_ =	sdelay $0x1  }
0xde: {  	(erf) = vrcp.f32 v17;
	_ =	sdelay $0x3  }
0xdf: {  	p2 =	sgt.s32 s25, $0x62;
	s26 =	simm.s32 $0x1  }
0xe0: {  	s26 =	simm.s32 @!p2 $0x0  }
0xe1: {  	s31 =	sshll.u32 s23, $0x4;
	s23 =	sadd.s32 $0x1, s23;
	s24 =	sadd.s32 s26, s24  }
0xe2: {  	s25 =	smov.u32 @p2 s24;
	p2 =	sne.s32 s23, $0xA  }
.Ltmp4:
0xe3: {  	_ = 	snop;
	(pc) =	sbr.rel @p2 .LBB2_7-.Ltmp4, $4  }
0xe4: {  	v17 =	vpop (erf)  }
0xe5: {  	v18 =	vsub.f32 $1.000000000e+00, v17  }
0xe6: {  	[tilespmem:s31+$0x6E40] =	vst v17  }
0xe7: {  	s25 =	sadd.s32 $0x1, s25;
	[tilespmem:s31+$0x6F40] =	vst v18  }
0xe8: {  	[hbm4b:s8+s3] =	stream.linear.scatter [tilespmem:s18], [sflag:$0x1], $0xA0, $0x38;
	[tilespmem:$0x72C0] =	vst v63  }
0xe9: {  	s21 =	sadd.s32 $0x1, s21;
	_ =	swait.ge [sflag:s13], $0xA0  }
0xea: {  	p2 =	sne.s32 s21, s10;
	[sflag:s13] =	ssyncset.done $0x0  }
.Ltmp5:
0xeb: {  	[sflag:s13] =	ssyncadd.s32 $0xFFFFFF60;
	(pc) =	sbr.rel @p2 .LBB2_1-.Ltmp5, $4  }
0xec: {  	[hbm4b:s9+s3] =	stream.linear.scatter [tilespmem:s19], [sflag:$0x1], $0xA0, $0x38;
	[tilespmem:$0x72C0] =	vst v63  }
0xed: {  	_ =	swait.ge [sflag:s13], $0xA0  }
0xee: {  	[sflag:s13] =	ssyncset.done $0x0  }
0xef: {  	[sflag:s13] =	ssyncadd.s32 $0xFFFFFF60  }
0xf0: {  	_ =	sfence.sel $0x180000  }
0xf1: {  	[bflag:$0x0] =	sbarrier.arrive $0xFFFF  }
0xf2: {  	_ =	strace $0x90000047  }
0xf3: {  	s0 =	sadd.s32 @!p1 $0x100000, s1;
	[bflag:$0x2] =	sbarrier.arrive $0xFFFF  }
0xf4: {  	[sflag:s0] =	ssyncadd.tile.s32 @!p1 $0x1;
	_ =	shalt  }
.Lfunc_end2:
_tile_overlayer_lowered:
.L_overlay_start_2:
0xf5: {  	(tag) =	ssettag $0x2  }
0xf6: {  	s0 =	rddreg [dreg:$0x0];
	s2 =	stileid.u32  }
0xf7: {  	s1 =	rddreg [dreg:$0x1];
	p0 =	sne.s32 s2, $0x0  }
0xf8: {  	s3 =	rddreg [dreg:$0x2];
	[bflag:$0x3] =	sbarrier.arrive $0xFFFF;
	s2 =	simm.s32 @!p0 $0x1C01  }
0xf9: {  	[timem:s3], [sflag:s2] =	dma.local @!p0 [hbm:s0], s1  }
0xfa: {  	s0 =	simm.s32 @!p0 $0x1  }
0xfb: {  	_ =	swait.ge @!p0 [sflag:s0], s1  }
0xfc: {  	s1 =	ssub.s32 @!p0 $0x0, s1;
	[sflag:s0] =	ssyncset.done @!p0 $0x0  }
0xfd: {  	[sflag:s0] =	ssyncadd.s32 @!p0 s1  }
0xfe: {  	[bflag:$0x3] =	sbarrier.arrive $0xFFFF  }
0xff: {  	_ =	shalt  }

</sc_bundles>
